<compile_context>
chip_gen: v7x
topology: tpu7x:2x2x1
jax: 0.10.2.dev20260603
libtpu: 0.0.44.dev20260713+nightly
codegen_flags: <defaults>
</compile_context>

<pallas_src>
import functools

import jax
import jax.numpy as jnp
from jax import lax
from jax.experimental import pallas as pl
from jax.experimental.pallas import tpu as pltpu
from jax.experimental.pallas import tpu_sc as plsc

N_OUT = 128
NUM_ATOM_TYPES = 100
N_ATOMS = 320000
N_SEGMENTS = 10000

TYPES_PAD = 128
PADDED = N_SEGMENTS * TYPES_PAD

NC = 2
NS = 16
NW = NC * NS
ATOMS_PER_TILE = N_ATOMS // NW
CHUNK = 128
NCHUNK = 80
DUMP = NUM_ATOM_TYPES
LANES = 16
ZBUF = 4000


def _sc_histogram(atom_types, segment_ids):
    mesh = plsc.VectorSubcoreMesh(core_axis_name="c", subcore_axis_name="s")
    @functools.partial(
        pl.kernel,
        out_type=[jax.ShapeDtypeStruct((PADDED,), jnp.float32),
                  jax.ShapeDtypeStruct((PADDED,), jnp.float32)],
        mesh=mesh,
        scratch_types=[
            pltpu.VMEM_SHARED((PADDED,), jnp.float32),
            pltpu.VMEM((ATOMS_PER_TILE,), jnp.int32),
            pltpu.VMEM((ATOMS_PER_TILE,), jnp.int32),
            pltpu.VMEM((NCHUNK, CHUNK), jnp.int32),
            pltpu.VMEM((CHUNK,), jnp.float32),
            pltpu.VMEM((ZBUF,), jnp.float32),
            pltpu.SemaphoreType.DMA,
            pltpu.SemaphoreType.DMA,
            pltpu.SemaphoreType.DMA,
        ],
    )
    def hist(typ_hbm, seg_hbm, counts0_hbm, counts1_hbm, shared,
             seg_v, typ_v, idx_v, ones_v, zbuf, sem_z, sem_s, sem_t):
        cid = lax.axis_index("c")
        sid = lax.axis_index("s")
        wid = cid * NS + sid
        base_atom = wid * ATOMS_PER_TILE
        word0 = sid * (PADDED // NS)

        seg_cp = pltpu.async_copy(seg_hbm.at[pl.ds(base_atom, ATOMS_PER_TILE)],
                                  seg_v, sem_s)
        typ_cp = pltpu.async_copy(typ_hbm.at[pl.ds(base_atom, ATOMS_PER_TILE)],
                                  typ_v, sem_t)

        zero16 = jnp.zeros((LANES,), jnp.float32)

        @pl.loop(0, ZBUF // LANES)
        def _(i):
            zbuf[pl.ds(i * LANES, LANES)] = zero16

        one = jnp.full((LANES,), 1.0, jnp.float32)
        for c in range(CHUNK // LANES):
            ones_v[pl.ds(c * LANES, LANES)] = one

        seg_cp.wait()
        typ_cp.wait()

        nfull = ATOMS_PER_TILE // CHUNK

        @pl.loop(0, nfull)
        def _(j):
            for c in range(CHUNK // LANES):
                off = j * CHUNK + c * LANES
                s16 = seg_v[pl.ds(off, LANES)]
                t16 = typ_v[pl.ds(off, LANES)]
                idx_v[j, pl.ds(c * LANES, LANES)] = s16 * TYPES_PAD + t16

        n_valid = (ATOMS_PER_TILE - nfull * CHUNK) // LANES
        dump = jnp.full((LANES,), DUMP, jnp.int32)
        for g in range(n_valid):
            off = nfull * CHUNK + g * LANES
            s16 = seg_v[pl.ds(off, LANES)]
            t16 = typ_v[pl.ds(off, LANES)]
            idx_v[nfull, pl.ds(g * LANES, LANES)] = s16 * TYPES_PAD + t16
        for j in range(nfull, NCHUNK):
            for c in range(CHUNK // LANES):
                if j == nfull and c < n_valid:
                    continue
                idx_v[j, pl.ds(c * LANES, LANES)] = dump

        nz = (PADDED // NS) // ZBUF

        @pl.loop(0, nz)
        def _(k):
            pltpu.make_async_copy(
                zbuf, shared.at[pl.ds(word0 + k * ZBUF, ZBUF)],
                sem_z).start()

        @pl.loop(0, nz)
        def _(k):
            pltpu.make_async_copy(
                zbuf, shared.at[pl.ds(word0 + k * ZBUF, ZBUF)],
                sem_z).wait()

        plsc.subcore_barrier()

        @pl.loop(0, NCHUNK)
        def _(j):
            pltpu.make_async_copy(ones_v, shared.at[idx_v.at[j]],
                                  sem_z).start(add=True)

        @pl.loop(0, NCHUNK)
        def _(j):
            pltpu.make_async_copy(ones_v, shared.at[idx_v.at[j]],
                                  sem_z).wait()

        plsc.subcore_barrier()

        @pl.when(cid == 0)
        def _():
            pltpu.sync_copy(shared.at[pl.ds(word0, PADDED // NS)],
                            counts0_hbm.at[pl.ds(word0, PADDED // NS)])

        @pl.when(cid == 1)
        def _():
            pltpu.sync_copy(shared.at[pl.ds(word0, PADDED // NS)],
                            counts1_hbm.at[pl.ds(word0, PADDED // NS)])

    return hist(atom_types, segment_ids)


def _tc_matmul(c0, c1, table):
    rows = 2000

    def body(c0_ref, c1_ref, t_ref, o_ref):
        a = c0_ref[...] + c1_ref[...]
        o_ref[...] = jnp.dot(a, t_ref[...], preferred_element_type=jnp.float32)

    return pl.pallas_call(
        body,
        grid=(N_SEGMENTS // rows,),
        in_specs=[
            pl.BlockSpec((rows, TYPES_PAD), lambda i: (i, 0)),
            pl.BlockSpec((rows, TYPES_PAD), lambda i: (i, 0)),
            pl.BlockSpec((TYPES_PAD, N_OUT), lambda i: (0, 0)),
        ],
        out_specs=pl.BlockSpec((rows, N_OUT), lambda i: (i, 0)),
        out_shape=jax.ShapeDtypeStruct((N_SEGMENTS, N_OUT), jnp.float32),
    )(c0, c1, table)


def kernel(atom_types, segment_ids, emb_table):
    table_pad = jnp.zeros((TYPES_PAD, N_OUT), jnp.float32)
    table_pad = table_pad.at[:NUM_ATOM_TYPES].set(emb_table)
    counts0, counts1 = _sc_histogram(atom_types.astype(jnp.int32),
                                     segment_ids.astype(jnp.int32))
    c0 = counts0.reshape(N_SEGMENTS, TYPES_PAD)
    c1 = counts1.reshape(N_SEGMENTS, TYPES_PAD)
    return _tc_matmul(c0, c1, table_pad)

# --- scband reference (transcript-rebuilt; emitter-appended) ---
"""Pipeline reference for scband-composition-embedding-57629871178651 (READ-ONLY COPY).

The authoritative reference and input builder live on the scoring server;
editing this copy changes nothing except your own understanding.
"""

import jax, jax.numpy as jnp
import numpy as np

N_OUT = 128
NUM_ATOM_TYPES = 100
N_ATOMS = 320000
N_SEGMENTS = 10000


def setup_inputs(seed: int = 0) -> dict:
    key = jax.random.key(seed)
    k1, k2, k3 = jax.random.split(key, 3)
    atom_types = jax.random.randint(k1, (N_ATOMS,), 0, NUM_ATOM_TYPES, dtype=jnp.int64 if jax.config.jax_enable_x64 else jnp.int32)
    segment_ids = jnp.sort(jax.random.randint(k2, (N_ATOMS,), 0, N_SEGMENTS, dtype=jnp.int64 if jax.config.jax_enable_x64 else jnp.int32))
    emb_table = jax.random.normal(k3, (NUM_ATOM_TYPES, N_OUT), dtype=jnp.float32)
    return {"atom_types": atom_types, "segment_ids": segment_ids, "emb_table": emb_table}


def reference(atom_types, segment_ids, emb_table):
    # AtomEmbedding: embedding lookup of atom types -> [N_ATOMS, N_OUT]
    atom_emb = jnp.take(emb_table, atom_types, axis=0)
    # scatter(atom_emb, batch.batch, dim=0, reduce='sum') -> per-composition sum
    comp_emb = jax.ops.segment_sum(atom_emb, segment_ids, num_segments=N_SEGMENTS)
    return comp_emb

if __name__ == "__main__":
    import jax
    _d = setup_inputs()
    print(jax.jit(kernel)(*tuple(_d.values())))

</pallas_src>

<mosaic_0001>
#map = affine_map<(d0, d1) -> (0)>
module attributes {stable_mosaic.version = 14 : i64} {
  func.func @hist(%arg0: i32, %arg1: i32, %arg2: memref<320000xi32, #tpu.memory_space<hbm>>, %arg3: memref<320000xi32, #tpu.memory_space<hbm>>, %arg4: memref<1280000xf32, #tpu.memory_space<hbm>>, %arg5: memref<1280000xf32, #tpu.memory_space<hbm>>, %arg6: memref<1280000xf32, #tpu.memory_space<vmem_shared>>, %arg7: memref<10000xi32, #tpu.memory_space<vmem>>, %arg8: memref<10000xi32, #tpu.memory_space<vmem>>, %arg9: memref<80x128xi32, #tpu.memory_space<vmem>>, %arg10: memref<128xf32, #tpu.memory_space<vmem>>, %arg11: memref<4000xf32, #tpu.memory_space<vmem>>, %arg12: memref<!tpu.dma_semaphore, #tpu.memory_space<semaphore_mem>>, %arg13: memref<!tpu.dma_semaphore, #tpu.memory_space<semaphore_mem>>, %arg14: memref<!tpu.dma_semaphore, #tpu.memory_space<semaphore_mem>>) attributes {dimension_semantics = [#tpu.dimension_semantics<core_parallel>, #tpu.dimension_semantics<subcore_parallel>], iteration_bounds = array<i64: 2, 16>, scalar_prefetch = 0 : i64, scratch_operands = 9 : i64, tpu.core_type = #tpu.core_type<sc_vector_subcore>, window_params = [{transform_indices = #map}, {transform_indices = #map}, {transform_indices = #map}, {transform_indices = #map}]} {
    %mul3A = arith.constant 16 : i32
    %mul3A_0 = arith.muli %arg0, %mul3A : i32
    %add3A = arith.addi %mul3A_0, %arg1 : i32
    %mul3A_1 = arith.constant 10000 : i32
    %mul3A_2 = arith.muli %add3A, %mul3A_1 : i32
    %mul3A_3 = arith.constant 80000 : i32
    %mul3A_4 = arith.muli %arg1, %mul3A_3 : i32
    %dma_start3A = tpu.memref_slice %arg3[%mul3A_2] : memref<320000xi32, #tpu.memory_space<hbm>> -> memref<10000xi32, #tpu.memory_space<hbm>>
    %dma_start3A_5 = tpu.memref_slice %arg3[%mul3A_2] : memref<320000xi32, #tpu.memory_space<hbm>> -> memref<10000xi32, #tpu.memory_space<hbm>>
    tpu.enqueue_dma source(%dma_start3A_5 : memref<10000xi32, #tpu.memory_space<hbm>>) target(%arg7 : memref<10000xi32, #tpu.memory_space<vmem>>) target_semaphore(%arg13 : memref<!tpu.dma_semaphore, #tpu.memory_space<semaphore_mem>>)
    %dma_start3A_6 = tpu.memref_slice %arg2[%mul3A_2] : memref<320000xi32, #tpu.memory_space<hbm>> -> memref<10000xi32, #tpu.memory_space<hbm>>
    %dma_start3A_7 = tpu.memref_slice %arg2[%mul3A_2] : memref<320000xi32, #tpu.memory_space<hbm>> -> memref<10000xi32, #tpu.memory_space<hbm>>
    tpu.enqueue_dma source(%dma_start3A_7 : memref<10000xi32, #tpu.memory_space<hbm>>) target(%arg8 : memref<10000xi32, #tpu.memory_space<vmem>>) target_semaphore(%arg14 : memref<!tpu.dma_semaphore, #tpu.memory_space<semaphore_mem>>)
    %broadcast_in_dim3A = arith.constant 0.000000e+00 : f32
    %broadcast_in_dim3A_8 = vector.broadcast %broadcast_in_dim3A : f32 to vector<16xf32>
    %scan3A = arith.constant 0 : i32
    %scan3A_9 = arith.constant 250 : i32
    %scan3A_10 = arith.addi %scan3A, %scan3A_9 : i32
    %scan3A_11 = arith.constant 1 : i32
    scf.for %scan3A_189 = %scan3A to %scan3A_10 step %scan3A_11  : i32 {
      %mul3A_190 = arith.constant 1 : i32
      %mul3A_191 = arith.muli %scan3A_189, %mul3A_190 : i32
      %add3A_192 = arith.constant 0 : i32
      %add3A_193 = arith.addi %add3A_192, %mul3A_191 : i32
      %mul3A_194 = arith.constant 16 : i32
      %mul3A_195 = arith.muli %add3A_193, %mul3A_194 : i32
      %swap3A_196 = arith.index_cast %mul3A_195 : i32 to index
      %swap3A_197 = tpu.vector_load %arg11[%swap3A_196] {strides = array<i32>} : memref<4000xf32, #tpu.memory_space<vmem>>, vector<16xf32>,
      %swap3A_198 = vector.shape_cast %swap3A_197 : vector<16xf32> to vector<16xf32>
      %swap3A_199 = vector.shape_cast %broadcast_in_dim3A_8 : vector<16xf32> to vector<16xf32>
      tpu.vector_store %arg11[%swap3A_196], %swap3A_199 {strides = array<i32>} : memref<4000xf32, #tpu.memory_space<vmem>>, vector<16xf32>,
    }
    %scan3A_12 = arith.constant 250 : i32
    %broadcast_in_dim3A_13 = arith.constant 1.000000e+00 : f32
    %broadcast_in_dim3A_14 = vector.broadcast %broadcast_in_dim3A_13 : f32 to vector<16xf32>
    %swap3A = arith.constant 0 : index
    %swap3A_15 = tpu.vector_load %arg10[%swap3A] {strides = array<i32>} : memref<128xf32, #tpu.memory_space<vmem>>, vector<16xf32>,
    %swap3A_16 = vector.shape_cast %swap3A_15 : vector<16xf32> to vector<16xf32>
    %swap3A_17 = vector.shape_cast %broadcast_in_dim3A_14 : vector<16xf32> to vector<16xf32>
    tpu.vector_store %arg10[%swap3A], %swap3A_17 {strides = array<i32>} : memref<128xf32, #tpu.memory_space<vmem>>, vector<16xf32>,
    %swap3A_18 = arith.constant 16 : index
    %swap3A_19 = tpu.vector_load %arg10[%swap3A_18] {strides = array<i32>} : memref<128xf32, #tpu.memory_space<vmem>>, vector<16xf32>,
    %swap3A_20 = vector.shape_cast %swap3A_19 : vector<16xf32> to vector<16xf32>
    %swap3A_21 = vector.shape_cast %broadcast_in_dim3A_14 : vector<16xf32> to vector<16xf32>
    tpu.vector_store %arg10[%swap3A_18], %swap3A_21 {strides = array<i32>} : memref<128xf32, #tpu.memory_space<vmem>>, vector<16xf32>,
    %swap3A_22 = arith.constant 32 : index
    %swap3A_23 = tpu.vector_load %arg10[%swap3A_22] {strides = array<i32>} : memref<128xf32, #tpu.memory_space<vmem>>, vector<16xf32>,
    %swap3A_24 = vector.shape_cast %swap3A_23 : vector<16xf32> to vector<16xf32>
    %swap3A_25 = vector.shape_cast %broadcast_in_dim3A_14 : vector<16xf32> to vector<16xf32>
    tpu.vector_store %arg10[%swap3A_22], %swap3A_25 {strides = array<i32>} : memref<128xf32, #tpu.memory_space<vmem>>, vector<16xf32>,
    %swap3A_26 = arith.constant 48 : index
    %swap3A_27 = tpu.vector_load %arg10[%swap3A_26] {strides = array<i32>} : memref<128xf32, #tpu.memory_space<vmem>>, vector<16xf32>,
    %swap3A_28 = vector.shape_cast %swap3A_27 : vector<16xf32> to vector<16xf32>
    %swap3A_29 = vector.shape_cast %broadcast_in_dim3A_14 : vector<16xf32> to vector<16xf32>
    tpu.vector_store %arg10[%swap3A_26], %swap3A_29 {strides = array<i32>} : memref<128xf32, #tpu.memory_space<vmem>>, vector<16xf32>,
    %swap3A_30 = arith.constant 64 : index
    %swap3A_31 = tpu.vector_load %arg10[%swap3A_30] {strides = array<i32>} : memref<128xf32, #tpu.memory_space<vmem>>, vector<16xf32>,
    %swap3A_32 = vector.shape_cast %swap3A_31 : vector<16xf32> to vector<16xf32>
    %swap3A_33 = vector.shape_cast %broadcast_in_dim3A_14 : vector<16xf32> to vector<16xf32>
    tpu.vector_store %arg10[%swap3A_30], %swap3A_33 {strides = array<i32>} : memref<128xf32, #tpu.memory_space<vmem>>, vector<16xf32>,
    %swap3A_34 = arith.constant 80 : index
    %swap3A_35 = tpu.vector_load %arg10[%swap3A_34] {strides = array<i32>} : memref<128xf32, #tpu.memory_space<vmem>>, vector<16xf32>,
    %swap3A_36 = vector.shape_cast %swap3A_35 : vector<16xf32> to vector<16xf32>
    %swap3A_37 = vector.shape_cast %broadcast_in_dim3A_14 : vector<16xf32> to vector<16xf32>
    tpu.vector_store %arg10[%swap3A_34], %swap3A_37 {strides = array<i32>} : memref<128xf32, #tpu.memory_space<vmem>>, vector<16xf32>,
    %swap3A_38 = arith.constant 96 : index
    %swap3A_39 = tpu.vector_load %arg10[%swap3A_38] {strides = array<i32>} : memref<128xf32, #tpu.memory_space<vmem>>, vector<16xf32>,
    %swap3A_40 = vector.shape_cast %swap3A_39 : vector<16xf32> to vector<16xf32>
    %swap3A_41 = vector.shape_cast %broadcast_in_dim3A_14 : vector<16xf32> to vector<16xf32>
    tpu.vector_store %arg10[%swap3A_38], %swap3A_41 {strides = array<i32>} : memref<128xf32, #tpu.memory_space<vmem>>, vector<16xf32>,
    %swap3A_42 = arith.constant 112 : index
    %swap3A_43 = tpu.vector_load %arg10[%swap3A_42] {strides = array<i32>} : memref<128xf32, #tpu.memory_space<vmem>>, vector<16xf32>,
    %swap3A_44 = vector.shape_cast %swap3A_43 : vector<16xf32> to vector<16xf32>
    %swap3A_45 = vector.shape_cast %broadcast_in_dim3A_14 : vector<16xf32> to vector<16xf32>
    tpu.vector_store %arg10[%swap3A_42], %swap3A_45 {strides = array<i32>} : memref<128xf32, #tpu.memory_space<vmem>>, vector<16xf32>,
    %dma_wait3A = tpu.memref_slice %arg3[%mul3A_2] : memref<320000xi32, #tpu.memory_space<hbm>> -> memref<10000xi32, #tpu.memory_space<hbm>>
    %dma_wait3A_46 = tpu.memref_slice %arg3[%mul3A_2] : memref<320000xi32, #tpu.memory_space<hbm>> -> memref<10000xi32, #tpu.memory_space<hbm>>
    tpu.wait_dma2 semaphore(%arg13 : memref<!tpu.dma_semaphore, #tpu.memory_space<semaphore_mem>>) src(%dma_wait3A_46 : memref<10000xi32, #tpu.memory_space<hbm>>) dst(%arg7 : memref<10000xi32, #tpu.memory_space<vmem>>)
    %dma_wait3A_47 = tpu.memref_slice %arg2[%mul3A_2] : memref<320000xi32, #tpu.memory_space<hbm>> -> memref<10000xi32, #tpu.memory_space<hbm>>
    %dma_wait3A_48 = tpu.memref_slice %arg2[%mul3A_2] : memref<320000xi32, #tpu.memory_space<hbm>> -> memref<10000xi32, #tpu.memory_space<hbm>>
    tpu.wait_dma2 semaphore(%arg14 : memref<!tpu.dma_semaphore, #tpu.memory_space<semaphore_mem>>) src(%dma_wait3A_48 : memref<10000xi32, #tpu.memory_space<hbm>>) dst(%arg8 : memref<10000xi32, #tpu.memory_space<vmem>>)
    %scan3A_49 = arith.constant 0 : i32
    %scan3A_50 = arith.constant 78 : i32
    %scan3A_51 = arith.addi %scan3A_49, %scan3A_50 : i32
    %scan3A_52 = arith.constant 1 : i32
    scf.for %scan3A_189 = %scan3A_49 to %scan3A_51 step %scan3A_52  : i32 {
      %mul3A_190 = arith.constant 1 : i32
      %mul3A_191 = arith.muli %scan3A_189, %mul3A_190 : i32
      %add3A_192 = arith.constant 0 : i32
      %add3A_193 = arith.addi %add3A_192, %mul3A_191 : i32
      %mul3A_194 = arith.constant 128 : i32
      %mul3A_195 = arith.muli %add3A_193, %mul3A_194 : i32
      %add3A_196 = arith.constant 0 : i32
      %add3A_197 = arith.addi %mul3A_195, %add3A_196 : i32
      %get3A_198 = arith.index_cast %add3A_197 : i32 to index
      %get3A_199 = tpu.vector_load %arg7[%get3A_198] {strides = array<i32>} : memref<10000xi32, #tpu.memory_space<vmem>>, vector<16xi32>,
      %get3A_200 = vector.shape_cast %get3A_199 : vector<16xi32> to vector<16xi32>
      %get3A_201 = arith.index_cast %add3A_197 : i32 to index
      %get3A_202 = tpu.vector_load %arg8[%get3A_201] {strides = array<i32>} : memref<10000xi32, #tpu.memory_space<vmem>>, vector<16xi32>,
      %get3A_203 = vector.shape_cast %get3A_202 : vector<16xi32> to vector<16xi32>
      %mul3A_204 = arith.constant 128 : i32
      %mul3A_205 = vector.broadcast %mul3A_204 : i32 to vector<16xi32>
      %mul3A_206 = arith.muli %get3A_200, %mul3A_205 : vector<16xi32>
      %add3A_207 = arith.addi %mul3A_206, %get3A_203 : vector<16xi32>
      %swap3A_208 = arith.index_cast %add3A_193 : i32 to index
      %swap3A_209 = arith.constant 0 : index
      %swap3A_210 = tpu.vector_load %arg9[%swap3A_208, %swap3A_209] {strides = array<i32>} : memref<80x128xi32, #tpu.memory_space<vmem>>, vector<1x16xi32>,
      %swap3A_211 = vector.shape_cast %swap3A_210 : vector<1x16xi32> to vector<16xi32>
      %swap3A_212 = vector.shape_cast %add3A_207 : vector<16xi32> to vector<1x16xi32>
      tpu.vector_store %arg9[%swap3A_208, %swap3A_209], %swap3A_212 {strides = array<i32>} : memref<80x128xi32, #tpu.memory_space<vmem>>, vector<1x16xi32>,
      %mul3A_213 = arith.constant 128 : i32
      %mul3A_214 = arith.muli %add3A_193, %mul3A_213 : i32
      %add3A_215 = arith.constant 16 : i32
      %add3A_216 = arith.addi %mul3A_214, %add3A_215 : i32
      %get3A_217 = arith.index_cast %add3A_216 : i32 to index
      %get3A_218 = tpu.vector_load %arg7[%get3A_217] {strides = array<i32>} : memref<10000xi32, #tpu.memory_space<vmem>>, vector<16xi32>,
      %get3A_219 = vector.shape_cast %get3A_218 : vector<16xi32> to vector<16xi32>
      %get3A_220 = arith.index_cast %add3A_216 : i32 to index
      %get3A_221 = tpu.vector_load %arg8[%get3A_220] {strides = array<i32>} : memref<10000xi32, #tpu.memory_space<vmem>>, vector<16xi32>,
      %get3A_222 = vector.shape_cast %get3A_221 : vector<16xi32> to vector<16xi32>
      %mul3A_223 = arith.constant 128 : i32
      %mul3A_224 = vector.broadcast %mul3A_223 : i32 to vector<16xi32>
      %mul3A_225 = arith.muli %get3A_219, %mul3A_224 : vector<16xi32>
      %add3A_226 = arith.addi %mul3A_225, %get3A_222 : vector<16xi32>
      %swap3A_227 = arith.index_cast %add3A_193 : i32 to index
      %swap3A_228 = arith.constant 16 : index
      %swap3A_229 = tpu.vector_load %arg9[%swap3A_227, %swap3A_228] {strides = array<i32>} : memref<80x128xi32, #tpu.memory_space<vmem>>, vector<1x16xi32>,
      %swap3A_230 = vector.shape_cast %swap3A_229 : vector<1x16xi32> to vector<16xi32>
      %swap3A_231 = vector.shape_cast %add3A_226 : vector<16xi32> to vector<1x16xi32>
      tpu.vector_store %arg9[%swap3A_227, %swap3A_228], %swap3A_231 {strides = array<i32>} : memref<80x128xi32, #tpu.memory_space<vmem>>, vector<1x16xi32>,
      %mul3A_232 = arith.constant 128 : i32
      %mul3A_233 = arith.muli %add3A_193, %mul3A_232 : i32
      %add3A_234 = arith.constant 32 : i32
      %add3A_235 = arith.addi %mul3A_233, %add3A_234 : i32
      %get3A_236 = arith.index_cast %add3A_235 : i32 to index
      %get3A_237 = tpu.vector_load %arg7[%get3A_236] {strides = array<i32>} : memref<10000xi32, #tpu.memory_space<vmem>>, vector<16xi32>,
      %get3A_238 = vector.shape_cast %get3A_237 : vector<16xi32> to vector<16xi32>
      %get3A_239 = arith.index_cast %add3A_235 : i32 to index
      %get3A_240 = tpu.vector_load %arg8[%get3A_239] {strides = array<i32>} : memref<10000xi32, #tpu.memory_space<vmem>>, vector<16xi32>,
      %get3A_241 = vector.shape_cast %get3A_240 : vector<16xi32> to vector<16xi32>
      %mul3A_242 = arith.constant 128 : i32
      %mul3A_243 = vector.broadcast %mul3A_242 : i32 to vector<16xi32>
      %mul3A_244 = arith.muli %get3A_238, %mul3A_243 : vector<16xi32>
      %add3A_245 = arith.addi %mul3A_244, %get3A_241 : vector<16xi32>
      %swap3A_246 = arith.index_cast %add3A_193 : i32 to index
      %swap3A_247 = arith.constant 32 : index
      %swap3A_248 = tpu.vector_load %arg9[%swap3A_246, %swap3A_247] {strides = array<i32>} : memref<80x128xi32, #tpu.memory_space<vmem>>, vector<1x16xi32>,
      %swap3A_249 = vector.shape_cast %swap3A_248 : vector<1x16xi32> to vector<16xi32>
      %swap3A_250 = vector.shape_cast %add3A_245 : vector<16xi32> to vector<1x16xi32>
      tpu.vector_store %arg9[%swap3A_246, %swap3A_247], %swap3A_250 {strides = array<i32>} : memref<80x128xi32, #tpu.memory_space<vmem>>, vector<1x16xi32>,
      %mul3A_251 = arith.constant 128 : i32
      %mul3A_252 = arith.muli %add3A_193, %mul3A_251 : i32
      %add3A_253 = arith.constant 48 : i32
      %add3A_254 = arith.addi %mul3A_252, %add3A_253 : i32
      %get3A_255 = arith.index_cast %add3A_254 : i32 to index
      %get3A_256 = tpu.vector_load %arg7[%get3A_255] {strides = array<i32>} : memref<10000xi32, #tpu.memory_space<vmem>>, vector<16xi32>,
      %get3A_257 = vector.shape_cast %get3A_256 : vector<16xi32> to vector<16xi32>
      %get3A_258 = arith.index_cast %add3A_254 : i32 to index
      %get3A_259 = tpu.vector_load %arg8[%get3A_258] {strides = array<i32>} : memref<10000xi32, #tpu.memory_space<vmem>>, vector<16xi32>,
      %get3A_260 = vector.shape_cast %get3A_259 : vector<16xi32> to vector<16xi32>
      %mul3A_261 = arith.constant 128 : i32
      %mul3A_262 = vector.broadcast %mul3A_261 : i32 to vector<16xi32>
      %mul3A_263 = arith.muli %get3A_257, %mul3A_262 : vector<16xi32>
      %add3A_264 = arith.addi %mul3A_263, %get3A_260 : vector<16xi32>
      %swap3A_265 = arith.index_cast %add3A_193 : i32 to index
      %swap3A_266 = arith.constant 48 : index
      %swap3A_267 = tpu.vector_load %arg9[%swap3A_265, %swap3A_266] {strides = array<i32>} : memref<80x128xi32, #tpu.memory_space<vmem>>, vector<1x16xi32>,
      %swap3A_268 = vector.shape_cast %swap3A_267 : vector<1x16xi32> to vector<16xi32>
      %swap3A_269 = vector.shape_cast %add3A_264 : vector<16xi32> to vector<1x16xi32>
      tpu.vector_store %arg9[%swap3A_265, %swap3A_266], %swap3A_269 {strides = array<i32>} : memref<80x128xi32, #tpu.memory_space<vmem>>, vector<1x16xi32>,
      %mul3A_270 = arith.constant 128 : i32
      %mul3A_271 = arith.muli %add3A_193, %mul3A_270 : i32
      %add3A_272 = arith.constant 64 : i32
      %add3A_273 = arith.addi %mul3A_271, %add3A_272 : i32
      %get3A_274 = arith.index_cast %add3A_273 : i32 to index
      %get3A_275 = tpu.vector_load %arg7[%get3A_274] {strides = array<i32>} : memref<10000xi32, #tpu.memory_space<vmem>>, vector<16xi32>,
      %get3A_276 = vector.shape_cast %get3A_275 : vector<16xi32> to vector<16xi32>
      %get3A_277 = arith.index_cast %add3A_273 : i32 to index
      %get3A_278 = tpu.vector_load %arg8[%get3A_277] {strides = array<i32>} : memref<10000xi32, #tpu.memory_space<vmem>>, vector<16xi32>,
      %get3A_279 = vector.shape_cast %get3A_278 : vector<16xi32> to vector<16xi32>
      %mul3A_280 = arith.constant 128 : i32
      %mul3A_281 = vector.broadcast %mul3A_280 : i32 to vector<16xi32>
      %mul3A_282 = arith.muli %get3A_276, %mul3A_281 : vector<16xi32>
      %add3A_283 = arith.addi %mul3A_282, %get3A_279 : vector<16xi32>
      %swap3A_284 = arith.index_cast %add3A_193 : i32 to index
      %swap3A_285 = arith.constant 64 : index
      %swap3A_286 = tpu.vector_load %arg9[%swap3A_284, %swap3A_285] {strides = array<i32>} : memref<80x128xi32, #tpu.memory_space<vmem>>, vector<1x16xi32>,
      %swap3A_287 = vector.shape_cast %swap3A_286 : vector<1x16xi32> to vector<16xi32>
      %swap3A_288 = vector.shape_cast %add3A_283 : vector<16xi32> to vector<1x16xi32>
      tpu.vector_store %arg9[%swap3A_284, %swap3A_285], %swap3A_288 {strides = array<i32>} : memref<80x128xi32, #tpu.memory_space<vmem>>, vector<1x16xi32>,
      %mul3A_289 = arith.constant 128 : i32
      %mul3A_290 = arith.muli %add3A_193, %mul3A_289 : i32
      %add3A_291 = arith.constant 80 : i32
      %add3A_292 = arith.addi %mul3A_290, %add3A_291 : i32
      %get3A_293 = arith.index_cast %add3A_292 : i32 to index
      %get3A_294 = tpu.vector_load %arg7[%get3A_293] {strides = array<i32>} : memref<10000xi32, #tpu.memory_space<vmem>>, vector<16xi32>,
      %get3A_295 = vector.shape_cast %get3A_294 : vector<16xi32> to vector<16xi32>
      %get3A_296 = arith.index_cast %add3A_292 : i32 to index
      %get3A_297 = tpu.vector_load %arg8[%get3A_296] {strides = array<i32>} : memref<10000xi32, #tpu.memory_space<vmem>>, vector<16xi32>,
      %get3A_298 = vector.shape_cast %get3A_297 : vector<16xi32> to vector<16xi32>
      %mul3A_299 = arith.constant 128 : i32
      %mul3A_300 = vector.broadcast %mul3A_299 : i32 to vector<16xi32>
      %mul3A_301 = arith.muli %get3A_295, %mul3A_300 : vector<16xi32>
      %add3A_302 = arith.addi %mul3A_301, %get3A_298 : vector<16xi32>
      %swap3A_303 = arith.index_cast %add3A_193 : i32 to index
      %swap3A_304 = arith.constant 80 : index
      %swap3A_305 = tpu.vector_load %arg9[%swap3A_303, %swap3A_304] {strides = array<i32>} : memref<80x128xi32, #tpu.memory_space<vmem>>, vector<1x16xi32>,
      %swap3A_306 = vector.shape_cast %swap3A_305 : vector<1x16xi32> to vector<16xi32>
      %swap3A_307 = vector.shape_cast %add3A_302 : vector<16xi32> to vector<1x16xi32>
      tpu.vector_store %arg9[%swap3A_303, %swap3A_304], %swap3A_307 {strides = array<i32>} : memref<80x128xi32, #tpu.memory_space<vmem>>, vector<1x16xi32>,
      %mul3A_308 = arith.constant 128 : i32
      %mul3A_309 = arith.muli %add3A_193, %mul3A_308 : i32
      %add3A_310 = arith.constant 96 : i32
      %add3A_311 = arith.addi %mul3A_309, %add3A_310 : i32
      %get3A_312 = arith.index_cast %add3A_311 : i32 to index
      %get3A_313 = tpu.vector_load %arg7[%get3A_312] {strides = array<i32>} : memref<10000xi32, #tpu.memory_space<vmem>>, vector<16xi32>,
      %get3A_314 = vector.shape_cast %get3A_313 : vector<16xi32> to vector<16xi32>
      %get3A_315 = arith.index_cast %add3A_311 : i32 to index
      %get3A_316 = tpu.vector_load %arg8[%get3A_315] {strides = array<i32>} : memref<10000xi32, #tpu.memory_space<vmem>>, vector<16xi32>,
      %get3A_317 = vector.shape_cast %get3A_316 : vector<16xi32> to vector<16xi32>
      %mul3A_318 = arith.constant 128 : i32
      %mul3A_319 = vector.broadcast %mul3A_318 : i32 to vector<16xi32>
      %mul3A_320 = arith.muli %get3A_314, %mul3A_319 : vector<16xi32>
      %add3A_321 = arith.addi %mul3A_320, %get3A_317 : vector<16xi32>
      %swap3A_322 = arith.index_cast %add3A_193 : i32 to index
      %swap3A_323 = arith.constant 96 : index
      %swap3A_324 = tpu.vector_load %arg9[%swap3A_322, %swap3A_323] {strides = array<i32>} : memref<80x128xi32, #tpu.memory_space<vmem>>, vector<1x16xi32>,
      %swap3A_325 = vector.shape_cast %swap3A_324 : vector<1x16xi32> to vector<16xi32>
      %swap3A_326 = vector.shape_cast %add3A_321 : vector<16xi32> to vector<1x16xi32>
      tpu.vector_store %arg9[%swap3A_322, %swap3A_323], %swap3A_326 {strides = array<i32>} : memref<80x128xi32, #tpu.memory_space<vmem>>, vector<1x16xi32>,
      %mul3A_327 = arith.constant 128 : i32
      %mul3A_328 = arith.muli %add3A_193, %mul3A_327 : i32
      %add3A_329 = arith.constant 112 : i32
      %add3A_330 = arith.addi %mul3A_328, %add3A_329 : i32
      %get3A_331 = arith.index_cast %add3A_330 : i32 to index
      %get3A_332 = tpu.vector_load %arg7[%get3A_331] {strides = array<i32>} : memref<10000xi32, #tpu.memory_space<vmem>>, vector<16xi32>,
      %get3A_333 = vector.shape_cast %get3A_332 : vector<16xi32> to vector<16xi32>
      %get3A_334 = arith.index_cast %add3A_330 : i32 to index
      %get3A_335 = tpu.vector_load %arg8[%get3A_334] {strides = array<i32>} : memref<10000xi32, #tpu.memory_space<vmem>>, vector<16xi32>,
      %get3A_336 = vector.shape_cast %get3A_335 : vector<16xi32> to vector<16xi32>
      %mul3A_337 = arith.constant 128 : i32
      %mul3A_338 = vector.broadcast %mul3A_337 : i32 to vector<16xi32>
      %mul3A_339 = arith.muli %get3A_333, %mul3A_338 : vector<16xi32>
      %add3A_340 = arith.addi %mul3A_339, %get3A_336 : vector<16xi32>
      %swap3A_341 = arith.index_cast %add3A_193 : i32 to index
      %swap3A_342 = arith.constant 112 : index
      %swap3A_343 = tpu.vector_load %arg9[%swap3A_341, %swap3A_342] {strides = array<i32>} : memref<80x128xi32, #tpu.memory_space<vmem>>, vector<1x16xi32>,
      %swap3A_344 = vector.shape_cast %swap3A_343 : vector<1x16xi32> to vector<16xi32>
      %swap3A_345 = vector.shape_cast %add3A_340 : vector<16xi32> to vector<1x16xi32>
      tpu.vector_store %arg9[%swap3A_341, %swap3A_342], %swap3A_345 {strides = array<i32>} : memref<80x128xi32, #tpu.memory_space<vmem>>, vector<1x16xi32>,
    }
    %scan3A_53 = arith.constant 78 : i32
    %broadcast_in_dim3A_54 = arith.constant 100 : i32
    %broadcast_in_dim3A_55 = vector.broadcast %broadcast_in_dim3A_54 : i32 to vector<16xi32>
    %get3A = arith.constant 9984 : index
    %get3A_56 = tpu.vector_load %arg7[%get3A] {strides = array<i32>} : memref<10000xi32, #tpu.memory_space<vmem>>, vector<16xi32>,
    %get3A_57 = vector.shape_cast %get3A_56 : vector<16xi32> to vector<16xi32>
    %get3A_58 = arith.constant 9984 : index
    %get3A_59 = tpu.vector_load %arg8[%get3A_58] {strides = array<i32>} : memref<10000xi32, #tpu.memory_space<vmem>>, vector<16xi32>,
    %get3A_60 = vector.shape_cast %get3A_59 : vector<16xi32> to vector<16xi32>
    %mul3A_61 = arith.constant 128 : i32
    %mul3A_62 = vector.broadcast %mul3A_61 : i32 to vector<16xi32>
    %mul3A_63 = arith.muli %get3A_57, %mul3A_62 : vector<16xi32>
    %add3A_64 = arith.addi %mul3A_63, %get3A_60 : vector<16xi32>
    %swap3A_65 = arith.constant 78 : i32
    %swap3A_66 = arith.index_cast %swap3A_65 : i32 to index
    %swap3A_67 = arith.constant 0 : index
    %swap3A_68 = tpu.vector_load %arg9[%swap3A_66, %swap3A_67] {strides = array<i32>} : memref<80x128xi32, #tpu.memory_space<vmem>>, vector<1x16xi32>,
    %swap3A_69 = vector.shape_cast %swap3A_68 : vector<1x16xi32> to vector<16xi32>
    %swap3A_70 = vector.shape_cast %add3A_64 : vector<16xi32> to vector<1x16xi32>
    tpu.vector_store %arg9[%swap3A_66, %swap3A_67], %swap3A_70 {strides = array<i32>} : memref<80x128xi32, #tpu.memory_space<vmem>>, vector<1x16xi32>,
    %swap3A_71 = arith.constant 78 : i32
    %swap3A_72 = arith.index_cast %swap3A_71 : i32 to index
    %swap3A_73 = arith.constant 16 : index
    %swap3A_74 = tpu.vector_load %arg9[%swap3A_72, %swap3A_73] {strides = array<i32>} : memref<80x128xi32, #tpu.memory_space<vmem>>, vector<1x16xi32>,
    %swap3A_75 = vector.shape_cast %swap3A_74 : vector<1x16xi32> to vector<16xi32>
    %swap3A_76 = vector.shape_cast %broadcast_in_dim3A_55 : vector<16xi32> to vector<1x16xi32>
    tpu.vector_store %arg9[%swap3A_72, %swap3A_73], %swap3A_76 {strides = array<i32>} : memref<80x128xi32, #tpu.memory_space<vmem>>, vector<1x16xi32>,
    %swap3A_77 = arith.constant 78 : i32
    %swap3A_78 = arith.index_cast %swap3A_77 : i32 to index
    %swap3A_79 = arith.constant 32 : index
    %swap3A_80 = tpu.vector_load %arg9[%swap3A_78, %swap3A_79] {strides = array<i32>} : memref<80x128xi32, #tpu.memory_space<vmem>>, vector<1x16xi32>,
    %swap3A_81 = vector.shape_cast %swap3A_80 : vector<1x16xi32> to vector<16xi32>
    %swap3A_82 = vector.shape_cast %broadcast_in_dim3A_55 : vector<16xi32> to vector<1x16xi32>
    tpu.vector_store %arg9[%swap3A_78, %swap3A_79], %swap3A_82 {strides = array<i32>} : memref<80x128xi32, #tpu.memory_space<vmem>>, vector<1x16xi32>,
    %swap3A_83 = arith.constant 78 : i32
    %swap3A_84 = arith.index_cast %swap3A_83 : i32 to index
    %swap3A_85 = arith.constant 48 : index
    %swap3A_86 = tpu.vector_load %arg9[%swap3A_84, %swap3A_85] {strides = array<i32>} : memref<80x128xi32, #tpu.memory_space<vmem>>, vector<1x16xi32>,
    %swap3A_87 = vector.shape_cast %swap3A_86 : vector<1x16xi32> to vector<16xi32>
    %swap3A_88 = vector.shape_cast %broadcast_in_dim3A_55 : vector<16xi32> to vector<1x16xi32>
    tpu.vector_store %arg9[%swap3A_84, %swap3A_85], %swap3A_88 {strides = array<i32>} : memref<80x128xi32, #tpu.memory_space<vmem>>, vector<1x16xi32>,
    %swap3A_89 = arith.constant 78 : i32
    %swap3A_90 = arith.index_cast %swap3A_89 : i32 to index
    %swap3A_91 = arith.constant 64 : index
    %swap3A_92 = tpu.vector_load %arg9[%swap3A_90, %swap3A_91] {strides = array<i32>} : memref<80x128xi32, #tpu.memory_space<vmem>>, vector<1x16xi32>,
    %swap3A_93 = vector.shape_cast %swap3A_92 : vector<1x16xi32> to vector<16xi32>
    %swap3A_94 = vector.shape_cast %broadcast_in_dim3A_55 : vector<16xi32> to vector<1x16xi32>
    tpu.vector_store %arg9[%swap3A_90, %swap3A_91], %swap3A_94 {strides = array<i32>} : memref<80x128xi32, #tpu.memory_space<vmem>>, vector<1x16xi32>,
    %swap3A_95 = arith.constant 78 : i32
    %swap3A_96 = arith.index_cast %swap3A_95 : i32 to index
    %swap3A_97 = arith.constant 80 : index
    %swap3A_98 = tpu.vector_load %arg9[%swap3A_96, %swap3A_97] {strides = array<i32>} : memref<80x128xi32, #tpu.memory_space<vmem>>, vector<1x16xi32>,
    %swap3A_99 = vector.shape_cast %swap3A_98 : vector<1x16xi32> to vector<16xi32>
    %swap3A_100 = vector.shape_cast %broadcast_in_dim3A_55 : vector<16xi32> to vector<1x16xi32>
    tpu.vector_store %arg9[%swap3A_96, %swap3A_97], %swap3A_100 {strides = array<i32>} : memref<80x128xi32, #tpu.memory_space<vmem>>, vector<1x16xi32>,
    %swap3A_101 = arith.constant 78 : i32
    %swap3A_102 = arith.index_cast %swap3A_101 : i32 to index
    %swap3A_103 = arith.constant 96 : index
    %swap3A_104 = tpu.vector_load %arg9[%swap3A_102, %swap3A_103] {strides = array<i32>} : memref<80x128xi32, #tpu.memory_space<vmem>>, vector<1x16xi32>,
    %swap3A_105 = vector.shape_cast %swap3A_104 : vector<1x16xi32> to vector<16xi32>
    %swap3A_106 = vector.shape_cast %broadcast_in_dim3A_55 : vector<16xi32> to vector<1x16xi32>
    tpu.vector_store %arg9[%swap3A_102, %swap3A_103], %swap3A_106 {strides = array<i32>} : memref<80x128xi32, #tpu.memory_space<vmem>>, vector<1x16xi32>,
    %swap3A_107 = arith.constant 78 : i32
    %swap3A_108 = arith.index_cast %swap3A_107 : i32 to index
    %swap3A_109 = arith.constant 112 : index
    %swap3A_110 = tpu.vector_load %arg9[%swap3A_108, %swap3A_109] {strides = array<i32>} : memref<80x128xi32, #tpu.memory_space<vmem>>, vector<1x16xi32>,
    %swap3A_111 = vector.shape_cast %swap3A_110 : vector<1x16xi32> to vector<16xi32>
    %swap3A_112 = vector.shape_cast %broadcast_in_dim3A_55 : vector<16xi32> to vector<1x16xi32>
    tpu.vector_store %arg9[%swap3A_108, %swap3A_109], %swap3A_112 {strides = array<i32>} : memref<80x128xi32, #tpu.memory_space<vmem>>, vector<1x16xi32>,
    %swap3A_113 = arith.constant 79 : i32
    %swap3A_114 = arith.index_cast %swap3A_113 : i32 to index
    %swap3A_115 = arith.constant 0 : index
    %swap3A_116 = tpu.vector_load %arg9[%swap3A_114, %swap3A_115] {strides = array<i32>} : memref<80x128xi32, #tpu.memory_space<vmem>>, vector<1x16xi32>,
    %swap3A_117 = vector.shape_cast %swap3A_116 : vector<1x16xi32> to vector<16xi32>
    %swap3A_118 = vector.shape_cast %broadcast_in_dim3A_55 : vector<16xi32> to vector<1x16xi32>
    tpu.vector_store %arg9[%swap3A_114, %swap3A_115], %swap3A_118 {strides = array<i32>} : memref<80x128xi32, #tpu.memory_space<vmem>>, vector<1x16xi32>,
    %swap3A_119 = arith.constant 79 : i32
    %swap3A_120 = arith.index_cast %swap3A_119 : i32 to index
    %swap3A_121 = arith.constant 16 : index
    %swap3A_122 = tpu.vector_load %arg9[%swap3A_120, %swap3A_121] {strides = array<i32>} : memref<80x128xi32, #tpu.memory_space<vmem>>, vector<1x16xi32>,
    %swap3A_123 = vector.shape_cast %swap3A_122 : vector<1x16xi32> to vector<16xi32>
    %swap3A_124 = vector.shape_cast %broadcast_in_dim3A_55 : vector<16xi32> to vector<1x16xi32>
    tpu.vector_store %arg9[%swap3A_120, %swap3A_121], %swap3A_124 {strides = array<i32>} : memref<80x128xi32, #tpu.memory_space<vmem>>, vector<1x16xi32>,
    %swap3A_125 = arith.constant 79 : i32
    %swap3A_126 = arith.index_cast %swap3A_125 : i32 to index
    %swap3A_127 = arith.constant 32 : index
    %swap3A_128 = tpu.vector_load %arg9[%swap3A_126, %swap3A_127] {strides = array<i32>} : memref<80x128xi32, #tpu.memory_space<vmem>>, vector<1x16xi32>,
    %swap3A_129 = vector.shape_cast %swap3A_128 : vector<1x16xi32> to vector<16xi32>
    %swap3A_130 = vector.shape_cast %broadcast_in_dim3A_55 : vector<16xi32> to vector<1x16xi32>
    tpu.vector_store %arg9[%swap3A_126, %swap3A_127], %swap3A_130 {strides = array<i32>} : memref<80x128xi32, #tpu.memory_space<vmem>>, vector<1x16xi32>,
    %swap3A_131 = arith.constant 79 : i32
    %swap3A_132 = arith.index_cast %swap3A_131 : i32 to index
    %swap3A_133 = arith.constant 48 : index
    %swap3A_134 = tpu.vector_load %arg9[%swap3A_132, %swap3A_133] {strides = array<i32>} : memref<80x128xi32, #tpu.memory_space<vmem>>, vector<1x16xi32>,
    %swap3A_135 = vector.shape_cast %swap3A_134 : vector<1x16xi32> to vector<16xi32>
    %swap3A_136 = vector.shape_cast %broadcast_in_dim3A_55 : vector<16xi32> to vector<1x16xi32>
    tpu.vector_store %arg9[%swap3A_132, %swap3A_133], %swap3A_136 {strides = array<i32>} : memref<80x128xi32, #tpu.memory_space<vmem>>, vector<1x16xi32>,
    %swap3A_137 = arith.constant 79 : i32
    %swap3A_138 = arith.index_cast %swap3A_137 : i32 to index
    %swap3A_139 = arith.constant 64 : index
    %swap3A_140 = tpu.vector_load %arg9[%swap3A_138, %swap3A_139] {strides = array<i32>} : memref<80x128xi32, #tpu.memory_space<vmem>>, vector<1x16xi32>,
    %swap3A_141 = vector.shape_cast %swap3A_140 : vector<1x16xi32> to vector<16xi32>
    %swap3A_142 = vector.shape_cast %broadcast_in_dim3A_55 : vector<16xi32> to vector<1x16xi32>
    tpu.vector_store %arg9[%swap3A_138, %swap3A_139], %swap3A_142 {strides = array<i32>} : memref<80x128xi32, #tpu.memory_space<vmem>>, vector<1x16xi32>,
    %swap3A_143 = arith.constant 79 : i32
    %swap3A_144 = arith.index_cast %swap3A_143 : i32 to index
    %swap3A_145 = arith.constant 80 : index
    %swap3A_146 = tpu.vector_load %arg9[%swap3A_144, %swap3A_145] {strides = array<i32>} : memref<80x128xi32, #tpu.memory_space<vmem>>, vector<1x16xi32>,
    %swap3A_147 = vector.shape_cast %swap3A_146 : vector<1x16xi32> to vector<16xi32>
    %swap3A_148 = vector.shape_cast %broadcast_in_dim3A_55 : vector<16xi32> to vector<1x16xi32>
    tpu.vector_store %arg9[%swap3A_144, %swap3A_145], %swap3A_148 {strides = array<i32>} : memref<80x128xi32, #tpu.memory_space<vmem>>, vector<1x16xi32>,
    %swap3A_149 = arith.constant 79 : i32
    %swap3A_150 = arith.index_cast %swap3A_149 : i32 to index
    %swap3A_151 = arith.constant 96 : index
    %swap3A_152 = tpu.vector_load %arg9[%swap3A_150, %swap3A_151] {strides = array<i32>} : memref<80x128xi32, #tpu.memory_space<vmem>>, vector<1x16xi32>,
    %swap3A_153 = vector.shape_cast %swap3A_152 : vector<1x16xi32> to vector<16xi32>
    %swap3A_154 = vector.shape_cast %broadcast_in_dim3A_55 : vector<16xi32> to vector<1x16xi32>
    tpu.vector_store %arg9[%swap3A_150, %swap3A_151], %swap3A_154 {strides = array<i32>} : memref<80x128xi32, #tpu.memory_space<vmem>>, vector<1x16xi32>,
    %swap3A_155 = arith.constant 79 : i32
    %swap3A_156 = arith.index_cast %swap3A_155 : i32 to index
    %swap3A_157 = arith.constant 112 : index
    %swap3A_158 = tpu.vector_load %arg9[%swap3A_156, %swap3A_157] {strides = array<i32>} : memref<80x128xi32, #tpu.memory_space<vmem>>, vector<1x16xi32>,
    %swap3A_159 = vector.shape_cast %swap3A_158 : vector<1x16xi32> to vector<16xi32>
    %swap3A_160 = vector.shape_cast %broadcast_in_dim3A_55 : vector<16xi32> to vector<1x16xi32>
    tpu.vector_store %arg9[%swap3A_156, %swap3A_157], %swap3A_160 {strides = array<i32>} : memref<80x128xi32, #tpu.memory_space<vmem>>, vector<1x16xi32>,
    %scan3A_161 = arith.constant 0 : i32
    %scan3A_162 = arith.constant 20 : i32
    %scan3A_163 = arith.addi %scan3A_161, %scan3A_162 : i32
    %scan3A_164 = arith.constant 1 : i32
    scf.for %scan3A_189 = %scan3A_161 to %scan3A_163 step %scan3A_164  : i32 {
      %mul3A_190 = arith.constant 1 : i32
      %mul3A_191 = arith.muli %scan3A_189, %mul3A_190 : i32
      %add3A_192 = arith.constant 0 : i32
      %add3A_193 = arith.addi %add3A_192, %mul3A_191 : i32
      %mul3A_194 = arith.constant 4000 : i32
      %mul3A_195 = arith.muli %add3A_193, %mul3A_194 : i32
      %add3A_196 = arith.addi %mul3A_4, %mul3A_195 : i32
      %dma_start3A_197 = tpu.memref_slice %arg6[%add3A_196] : memref<1280000xf32, #tpu.memory_space<vmem_shared>> -> memref<4000xf32, #tpu.memory_space<vmem_shared>>
      %dma_start3A_198 = tpu.memref_slice %arg6[%add3A_196] : memref<1280000xf32, #tpu.memory_space<vmem_shared>> -> memref<4000xf32, #tpu.memory_space<vmem_shared>>
      tpu.enqueue_dma source(%arg11 : memref<4000xf32, #tpu.memory_space<vmem>>) target(%dma_start3A_198 : memref<4000xf32, #tpu.memory_space<vmem_shared>>) target_semaphore(%arg12 : memref<!tpu.dma_semaphore, #tpu.memory_space<semaphore_mem>>)
    }
    %scan3A_165 = arith.constant 20 : i32
    %scan3A_166 = arith.constant 0 : i32
    %scan3A_167 = arith.constant 20 : i32
    %scan3A_168 = arith.addi %scan3A_166, %scan3A_167 : i32
    %scan3A_169 = arith.constant 1 : i32
    scf.for %scan3A_189 = %scan3A_166 to %scan3A_168 step %scan3A_169  : i32 {
      %mul3A_190 = arith.constant 1 : i32
      %mul3A_191 = arith.muli %scan3A_189, %mul3A_190 : i32
      %add3A_192 = arith.constant 0 : i32
      %add3A_193 = arith.addi %add3A_192, %mul3A_191 : i32
      %mul3A_194 = arith.constant 4000 : i32
      %mul3A_195 = arith.muli %add3A_193, %mul3A_194 : i32
      %add3A_196 = arith.addi %mul3A_4, %mul3A_195 : i32
      %dma_wait3A_197 = tpu.memref_slice %arg6[%add3A_196] : memref<1280000xf32, #tpu.memory_space<vmem_shared>> -> memref<4000xf32, #tpu.memory_space<vmem_shared>>
      %dma_wait3A_198 = tpu.memref_slice %arg6[%add3A_196] : memref<1280000xf32, #tpu.memory_space<vmem_shared>> -> memref<4000xf32, #tpu.memory_space<vmem_shared>>
      tpu.wait_dma2 semaphore(%arg12 : memref<!tpu.dma_semaphore, #tpu.memory_space<semaphore_mem>>) src(%arg11 : memref<4000xf32, #tpu.memory_space<vmem>>) dst(%dma_wait3A_198 : memref<4000xf32, #tpu.memory_space<vmem_shared>>)
    }
    %scan3A_170 = arith.constant 20 : i32
    %barrier3A = arith.constant 0 : index
    tpu.barrier barrier_id(%barrier3A)
    %scan3A_171 = arith.constant 0 : i32
    %scan3A_172 = arith.constant 80 : i32
    %scan3A_173 = arith.addi %scan3A_171, %scan3A_172 : i32
    %scan3A_174 = arith.constant 1 : i32
    scf.for %scan3A_189 = %scan3A_171 to %scan3A_173 step %scan3A_174  : i32 {
      %mul3A_190 = arith.constant 1 : i32
      %mul3A_191 = arith.muli %scan3A_189, %mul3A_190 : i32
      %add3A_192 = arith.constant 0 : i32
      %add3A_193 = arith.addi %add3A_192, %mul3A_191 : i32
      %dma_start3A_194 = arith.constant 0 : i32
      %dma_start3A_195 = tpu.memref_slice %arg9[%add3A_193, %dma_start3A_194] : memref<80x128xi32, #tpu.memory_space<vmem>> -> memref<1x128xi32, #tpu.memory_space<vmem>>
      %dma_start3A_196 = tpu.memref_squeeze %dma_start3A_195 : memref<1x128xi32, #tpu.memory_space<vmem>> -> memref<128xi32, #tpu.memory_space<vmem>>
      %dma_start3A_197 = arith.constant 0 : i32
      %dma_start3A_198 = tpu.memref_slice %arg6[%dma_start3A_197] : memref<1280000xf32, #tpu.memory_space<vmem_shared>> -> memref<1280000xf32, #tpu.memory_space<vmem_shared>>
      tpu.enqueue_indirect_dma source(%arg10 : memref<128xf32, #tpu.memory_space<vmem>>) target(%dma_start3A_198 : memref<1280000xf32, #tpu.memory_space<vmem_shared>>) offsets(%dma_start3A_196 : memref<128xi32, #tpu.memory_space<vmem>>) semaphore(%arg12 : memref<!tpu.dma_semaphore, #tpu.memory_space<semaphore_mem>>) {add = true}
    }
    %scan3A_175 = arith.constant 80 : i32
    %scan3A_176 = arith.constant 0 : i32
    %scan3A_177 = arith.constant 80 : i32
    %scan3A_178 = arith.addi %scan3A_176, %scan3A_177 : i32
    %scan3A_179 = arith.constant 1 : i32
    scf.for %scan3A_189 = %scan3A_176 to %scan3A_178 step %scan3A_179  : i32 {
      %mul3A_190 = arith.constant 1 : i32
      %mul3A_191 = arith.muli %scan3A_189, %mul3A_190 : i32
      %add3A_192 = arith.constant 0 : i32
      %add3A_193 = arith.addi %add3A_192, %mul3A_191 : i32
      %dma_wait3A_194 = arith.constant 0 : i32
      %dma_wait3A_195 = tpu.memref_slice %arg9[%add3A_193, %dma_wait3A_194] : memref<80x128xi32, #tpu.memory_space<vmem>> -> memref<1x128xi32, #tpu.memory_space<vmem>>
      %dma_wait3A_196 = tpu.memref_squeeze %dma_wait3A_195 : memref<1x128xi32, #tpu.memory_space<vmem>> -> memref<128xi32, #tpu.memory_space<vmem>>
      %dma_wait3A_197 = arith.constant 0 : i32
      %dma_wait3A_198 = tpu.memref_slice %arg6[%dma_wait3A_197] : memref<1280000xf32, #tpu.memory_space<vmem_shared>> -> memref<1280000xf32, #tpu.memory_space<vmem_shared>>
      tpu.wait_indirect_dma semaphore(%arg12 : memref<!tpu.dma_semaphore, #tpu.memory_space<semaphore_mem>>) src(%arg10 : memref<128xf32, #tpu.memory_space<vmem>>) dst(%dma_wait3A_198 : memref<1280000xf32, #tpu.memory_space<vmem_shared>>)
    }
    %scan3A_180 = arith.constant 80 : i32
    %barrier3A_181 = arith.constant 0 : index
    tpu.barrier barrier_id(%barrier3A_181)
    %eq3A = arith.constant 0 : i32
    %eq3A_182 = arith.cmpi eq, %arg0, %eq3A : i32
    %convert_element_type3A = arith.extui %eq3A_182 : i1 to i32
    %cond3A = arith.constant 0 : i32
    %cond3A_183 = arith.cmpi ne, %convert_element_type3A, %cond3A : i32
    scf.if %cond3A_183 {
      "tpu.region"() ({
        %run_scoped3A = tpu.sem_alloc : memref<!tpu.dma_semaphore, #tpu.memory_space<semaphore_mem>>
        %dma_start3A_189 = tpu.memref_slice %arg4[%mul3A_4] : memref<1280000xf32, #tpu.memory_space<hbm>> -> memref<80000xf32, #tpu.memory_space<hbm>>
        %dma_start3A_190 = tpu.memref_slice %arg6[%mul3A_4] : memref<1280000xf32, #tpu.memory_space<vmem_shared>> -> memref<80000xf32, #tpu.memory_space<vmem_shared>>
        tpu.enqueue_dma source(%dma_start3A_190 : memref<80000xf32, #tpu.memory_space<vmem_shared>>) target(%dma_start3A_189 : memref<80000xf32, #tpu.memory_space<hbm>>) target_semaphore(%run_scoped3A : memref<!tpu.dma_semaphore, #tpu.memory_space<semaphore_mem>>)
        %dma_wait3A_191 = tpu.memref_slice %arg4[%mul3A_4] : memref<1280000xf32, #tpu.memory_space<hbm>> -> memref<80000xf32, #tpu.memory_space<hbm>>
        %dma_wait3A_192 = tpu.memref_slice %arg6[%mul3A_4] : memref<1280000xf32, #tpu.memory_space<vmem_shared>> -> memref<80000xf32, #tpu.memory_space<vmem_shared>>
        tpu.wait_dma2 semaphore(%run_scoped3A : memref<!tpu.dma_semaphore, #tpu.memory_space<semaphore_mem>>) src(%dma_wait3A_192 : memref<80000xf32, #tpu.memory_space<vmem_shared>>) dst(%dma_wait3A_191 : memref<80000xf32, #tpu.memory_space<hbm>>)
        tpu.yield
      }) : () -> ()
    } else {
    }
    %eq3A_184 = arith.constant 1 : i32
    %eq3A_185 = arith.cmpi eq, %arg0, %eq3A_184 : i32
    %convert_element_type3A_186 = arith.extui %eq3A_185 : i1 to i32
    %cond3A_187 = arith.constant 0 : i32
    %cond3A_188 = arith.cmpi ne, %convert_element_type3A_186, %cond3A_187 : i32
    scf.if %cond3A_188 {
      "tpu.region"() ({
        %run_scoped3A = tpu.sem_alloc : memref<!tpu.dma_semaphore, #tpu.memory_space<semaphore_mem>>
        %dma_start3A_189 = tpu.memref_slice %arg5[%mul3A_4] : memref<1280000xf32, #tpu.memory_space<hbm>> -> memref<80000xf32, #tpu.memory_space<hbm>>
        %dma_start3A_190 = tpu.memref_slice %arg6[%mul3A_4] : memref<1280000xf32, #tpu.memory_space<vmem_shared>> -> memref<80000xf32, #tpu.memory_space<vmem_shared>>
        tpu.enqueue_dma source(%dma_start3A_190 : memref<80000xf32, #tpu.memory_space<vmem_shared>>) target(%dma_start3A_189 : memref<80000xf32, #tpu.memory_space<hbm>>) target_semaphore(%run_scoped3A : memref<!tpu.dma_semaphore, #tpu.memory_space<semaphore_mem>>)
        %dma_wait3A_191 = tpu.memref_slice %arg5[%mul3A_4] : memref<1280000xf32, #tpu.memory_space<hbm>> -> memref<80000xf32, #tpu.memory_space<hbm>>
        %dma_wait3A_192 = tpu.memref_slice %arg6[%mul3A_4] : memref<1280000xf32, #tpu.memory_space<vmem_shared>> -> memref<80000xf32, #tpu.memory_space<vmem_shared>>
        tpu.wait_dma2 semaphore(%run_scoped3A : memref<!tpu.dma_semaphore, #tpu.memory_space<semaphore_mem>>) src(%dma_wait3A_192 : memref<80000xf32, #tpu.memory_space<vmem_shared>>) dst(%dma_wait3A_191 : memref<80000xf32, #tpu.memory_space<hbm>>)
        tpu.yield
      }) : () -> ()
    } else {
    }
    return
  }
}

module attributes {stable_mosaic.version = 14 : i64} {
  func.func @body(%arg0: i32, %arg1: memref<2000x128xf32, #tpu.memory_space<vmem>>, %arg2: memref<2000x128xf32, #tpu.memory_space<vmem>>, %arg3: memref<128x128xf32, #tpu.memory_space<vmem>>, %arg4: memref<2000x128xf32, #tpu.memory_space<vmem>>) attributes {dimension_semantics = [#tpu.dimension_semantics<arbitrary>], iteration_bounds = array<i64: 5>, scalar_prefetch = 0 : i64, scratch_operands = 0 : i64, tpu.core_type = #tpu.core_type<tc>, window_params = [{transform_indices = @transform_0, window_bounds = array<i64: 2000, 128>}, {transform_indices = @transform_1, window_bounds = array<i64: 2000, 128>}, {pipeline_mode = #tpu.pipeline_mode<synchronous>, transform_indices = @transform_2, window_bounds = array<i64: 128, 128>}, {transform_indices = @transform_3, window_bounds = array<i64: 2000, 128>}]} {
    %get3A = arith.constant 0 : index
    %get3A_0 = arith.constant 0 : index
    %get3A_1 = vector.load %arg1[%get3A, %get3A_0] : memref<2000x128xf32, #tpu.memory_space<vmem>>, vector<2000x128xf32>
    %get3A_2 = arith.constant 0 : index
    %get3A_3 = arith.constant 0 : index
    %get3A_4 = vector.load %arg2[%get3A_2, %get3A_3] : memref<2000x128xf32, #tpu.memory_space<vmem>>, vector<2000x128xf32>
    %add3A = arith.addf %get3A_1, %get3A_4 : vector<2000x128xf32>
    %get3A_5 = arith.constant 0 : index
    %get3A_6 = arith.constant 0 : index
    %get3A_7 = vector.load %arg3[%get3A_5, %get3A_6] : memref<128x128xf32, #tpu.memory_space<vmem>>, vector<128x128xf32>
    %dot_general3A = arith.constant dense<0.000000e+00> : vector<2000x128xf32>
    %dot_general3A_8 = tpu.matmul %add3A, %get3A_7, %dot_general3A {dimension_numbers = #tpu.dot_dimension_numbers<[1], [0], [0], [1], [0, 0, 1, 1], [], []>, transpose_lhs_hint = false} : vector<2000x128xf32>, vector<128x128xf32>, vector<2000x128xf32> -> vector<2000x128xf32>
    %swap3A = arith.constant 0 : index
    %swap3A_9 = arith.constant 0 : index
    %swap3A_10 = vector.load %arg4[%swap3A, %swap3A_9] : memref<2000x128xf32, #tpu.memory_space<vmem>>, vector<2000x128xf32>
    tpu.vector_store %arg4[%swap3A, %swap3A_9], %dot_general3A_8 {strides = array<i32>} : memref<2000x128xf32, #tpu.memory_space<vmem>>, vector<2000x128xf32>,
    return
  }
  func.func @transform_0(%arg0: i32) -> (i32, i32) {
    %c0_i32 = arith.constant 0 : i32
    %c0_i32_0 = arith.constant 0 : i32
    return %arg0, %c0_i32 : i32, i32
  }
  func.func @transform_1(%arg0: i32) -> (i32, i32) {
    %c0_i32 = arith.constant 0 : i32
    %c0_i32_0 = arith.constant 0 : i32
    return %arg0, %c0_i32 : i32, i32
  }
  func.func @transform_2(%arg0: i32) -> (i32, i32) {
    %c0_i32 = arith.constant 0 : i32
    %c0_i32_0 = arith.constant 0 : i32
    %c0_i32_1 = arith.constant 0 : i32
    return %c0_i32, %c0_i32_0 : i32, i32
  }
  func.func @transform_3(%arg0: i32) -> (i32, i32) {
    %c0_i32 = arith.constant 0 : i32
    %c0_i32_0 = arith.constant 0 : i32
    return %arg0, %c0_i32 : i32, i32
  }
}

</mosaic_0001>

<sc_bundles>
// kernel: kernel.4.cloned.1.call-start
scs
__scs_entry_jumppad:
0x0: {  	(pc) =	sbr.rel $0x88, $3  }
0x1: {  	(tag) =	ssettag $0x0;
	lr =	simm.s32 $0x1  }
0x2: {  	[smem:$0x3F9E] =	sst lr;
	_ =	strace $0xD0000000  }
0x3: {  	_ = 	snop  }
0x4: {  	_ = 	snop  }
0x5: {  	_ = 	snop  }
0x6: {  	_ = 	snop  }
0x7: {  	_ = 	snop  }
__scs_overlays_trampoline_lowered:
0x8: {  	[smem:$0x3FAD] =	sst s0  }
0x9: {  	[smem:$0x3FAE] =	sst s1  }
0xa: {  	[smem:$0x3FAF] =	sst s2  }
0xb: {  	[smem:$0x3FB0] =	sst s3  }
0xc: {  	[smem:$0x3FB1] =	sst s4  }
0xd: {  	[smem:$0x3FB2] =	sst s5  }
0xe: {  	[smem:$0x3FB3] =	sst s6  }
0xf: {  	[smem:$0x3FB4] =	sst s7  }
0x10: {  	[smem:$0x3FB5] =	sst s8  }
0x11: {  	[smem:$0x3FB6] =	sst s9;
	s0 =	simm.s32 @!p0 $0x0  }
0x12: {  	s1 =	sld [smem:$0x3F9C];
	s0 =	simm.s32 @p0 $0x1  }
0x13: {  	[smem:$0x3FB7] =	sst s0;
	s0 =	simm.s32 @!p1 $0x0  }
0x14: {  	s2 =	sld [smem:$0x3F9B];
	s0 =	simm.s32 @p1 $0x1  }
0x15: {  	[smem:$0x3FB8] =	sst s0;
	s0 =	simm.s32 @!p2 $0x0  }
0x16: {  	s3 =	sld [smem:$0x3FDB];
	s0 =	simm.s32 @p2 $0x1  }
0x17: {  	s4 =	simm.s32 $0x1BF5;
	[smem:$0x3FBA] =	sst s0  }
0x18: {  	s0 =	sld [smem:$0x3F9D];
	_ =	swait.ge [sflag:s4], $0x0  }
0x19: {  	s7 =	sld [smem:$0x3F9E]  }
0x1a: {  	s8 =	sadd.s32 $0xFFFFE003, lr  }
0x1b: {  	s9 =	sadd.s32 $0xFFFFFEF7, lr;
	s5 =	simm.s32 $0xFFFFFFFF;
	p2 =	slt.u32 s8, $0xFFFFF086  }
0x1c: {  	p1 =	slt.u32 s9, $0xF7A;
	s5 =	simm.s32 @!p2 $0x0  }
0x1d: {  	s5 =	simm.s32 @p1 $0x1;
	p0 =	seq.s32 s7, s2  }
0x1e: {  	s7 =	smul.u32 @!p0 $0xF7A, s2;
	p2 =	seq.s32 @!p0 s5, $0x0  }
0x1f: {  	s9 =	smul.u32 $0xF7A, s1;
	s8 =	simm.s32 @!p0 $0x1BF5;
	p2 =	por !p2, p0  }
0x20: {  	[sflag:s8] =	ssyncset.s32 @!p0 $0xFFFFF086;
	s6 =	sadd.s32 @!p0 s3, s7;
	s7 =	simm.s32 @!p0 $0x108  }
0x21: {  	s3 =	sadd.s32 s3, s9;
	s6 =	sadd.s32 @!p0 $0x88, s6;
	s7 =	simm.s32 @p2 $0x1082  }
0x22: {  	[simem:s7], [sflag:s8] =	dma.local @!p0 [hbm:s6], $0xF7A  }
0x23: {  	s9 =	sor.u32 $0xD0000000, s2;
	s6 =	simm.s32 $0x108;
	_ =	swait.ge @!p0 [sflag:s8], $0x0  }
0x24: {  	s3 =	sadd.s32 $0x88, s3;
	s6 =	simm.s32 @!p1 $0x1082;
	[sflag:s4] =	ssyncset.s32 $0xFFFFF086  }
0x25: {  	[simem:s6], [sflag:s4] =	dma.local [hbm:s3], $0xF7A  }
0x26: {  	[smem:$0x3F9E] =	sst s1;
	(tag) =	ssettag s2;
	_ =	strace s9  }
0x27: {  	s1 =	sld [smem:$0x3FAE]  }
0x28: {  	s2 =	sld [smem:$0x3FAF]  }
0x29: {  	s4 =	sld [smem:$0x3FB1]  }
0x2a: {  	p0 =	seq.s32 s5, $0x0;
	s5 =	sld [smem:$0x3FB2]  }
0x2b: {  	s6 =	sld [smem:$0x3FB3]  }
0x2c: {  	s7 =	sld [smem:$0x3FB4]  }
0x2d: {  	s3 =	simm.s32 $0x108;
	s8 =	sld [smem:$0x3FB5]  }
0x2e: {  	s3 =	simm.s32 @!p0 $0x1082;
	s9 =	sld [smem:$0x3FB6]  }
0x2f: {  	lr =	sadd.s32 s0, s3;
	s0 =	sld [smem:$0x3FAD]  }
0x30: {  	s3 =	sld [smem:$0x3FB0]  }
0x31: {  	[smem:$0x3FB9] =	sst s10  }
0x32: {  	s10 =	sld [smem:$0x3FB7];
	_ =	sdelay $0x3  }
0x33: {  	p0 =	seq.s32 s10, $0x1;
	s10 =	sld [smem:$0x3FB9];
	_ =	sdelay $0x3  }
0x34: {  	[smem:$0x3FB9] =	sst s10  }
0x35: {  	s10 =	sld [smem:$0x3FB8];
	_ =	sdelay $0x3  }
0x36: {  	p1 =	seq.s32 s10, $0x1;
	s10 =	sld [smem:$0x3FB9];
	_ =	sdelay $0x3  }
0x37: {  	[smem:$0x3FB9] =	sst s10  }
0x38: {  	s10 =	sld [smem:$0x3FBA]  }
0x39: {  	_ = 	snop;
	(pc) =	sbr.ind lr, $3  }
0x3a: {  	_ = 	snop  }
0x3b: {  	_ = 	snop  }
0x3c: {  	p2 =	seq.s32 s10, $0x1;
	s10 =	sld [smem:$0x3FB9]  }
0x3d: {  	_ =	shalt  }
0x3e: {  	_ =	shalt  }
0x3f: {  	_ =	shalt  }
0x40: {  	_ =	shalt  }
0x41: {  	_ =	shalt  }
0x42: {  	_ =	shalt  }
0x43: {  	_ =	shalt  }
0x44: {  	_ =	shalt  }
0x45: {  	_ =	shalt  }
0x46: {  	_ =	shalt  }
0x47: {  	_ =	shalt  }
0x48: {  	_ =	shalt  }
0x49: {  	_ =	shalt  }
0x4a: {  	_ =	shalt  }
0x4b: {  	_ =	shalt  }
0x4c: {  	_ =	shalt  }
0x4d: {  	_ =	shalt  }
0x4e: {  	_ =	shalt  }
0x4f: {  	_ =	shalt  }
0x50: {  	_ =	shalt  }
0x51: {  	_ =	shalt  }
0x52: {  	_ =	shalt  }
0x53: {  	_ =	shalt  }
0x54: {  	_ =	shalt  }
0x55: {  	_ =	shalt  }
0x56: {  	_ =	shalt  }
0x57: {  	_ =	shalt  }
0x58: {  	_ =	shalt  }
0x59: {  	_ =	shalt  }
0x5a: {  	_ =	shalt  }
0x5b: {  	_ =	shalt  }
0x5c: {  	_ =	shalt  }
0x5d: {  	_ =	shalt  }
0x5e: {  	_ =	shalt  }
0x5f: {  	_ =	shalt  }
0x60: {  	_ =	shalt  }
0x61: {  	_ =	shalt  }
0x62: {  	_ =	shalt  }
0x63: {  	_ =	shalt  }
0x64: {  	_ =	shalt  }
0x65: {  	_ =	shalt  }
0x66: {  	_ =	shalt  }
0x67: {  	_ =	shalt  }
0x68: {  	_ =	shalt  }
0x69: {  	_ =	shalt  }
0x6a: {  	_ =	shalt  }
0x6b: {  	_ =	shalt  }
0x6c: {  	_ =	shalt  }
0x6d: {  	_ =	shalt  }
0x6e: {  	_ =	shalt  }
0x6f: {  	_ =	shalt  }
0x70: {  	_ =	shalt  }
0x71: {  	_ =	shalt  }
0x72: {  	_ =	shalt  }
0x73: {  	_ =	shalt  }
0x74: {  	_ =	shalt  }
0x75: {  	_ =	shalt  }
0x76: {  	_ =	shalt  }
0x77: {  	_ =	shalt  }
0x78: {  	_ =	shalt  }
0x79: {  	_ =	shalt  }
0x7a: {  	_ =	shalt  }
0x7b: {  	_ =	shalt  }
0x7c: {  	_ =	shalt  }
0x7d: {  	_ =	shalt  }
0x7e: {  	_ =	shalt  }
0x7f: {  	_ =	shalt  }
0x80: {  	_ =	shalt  }
0x81: {  	_ =	shalt  }
0x82: {  	_ =	shalt  }
0x83: {  	_ =	shalt  }
0x84: {  	_ =	shalt  }
0x85: {  	_ =	shalt  }
0x86: {  	_ =	shalt  }
0x87: {  	_ =	shalt  }
.Lfunc_end0:
.L_simem_size_0:
called_computation_lowered:
.L_overlay_start_0:
0x88: {  	s2 =	sld [smem:$0x3FD9]  }
0x89: {  	s3 =	sld [smem:$0x3FFE];
	_ =	sdelay $0x1  }
0x8a: {  	s1 =	srdreg.scid  }
0x8b: {  	s0 =	sand.u32 $0x1, s1  }
0x8c: {  	s17 =	sshll.u32 s0, $0xA;
	s2 =	sadd.s32 s3, s2  }
0x8d: {  	s2 =	sadd.s32 s2, s17  }
0x8e: {  	[smem:$0x3FC5] =	sst s2  }
0x8f: {  	_ = 	snop  }
0x90: {  	s2 =	sld [smem:$0x3FC9]  }
0x91: {  	s18 =	sld [smem:$0x3FC8]  }
0x92: {  	s4 =	sld [smem:$0x3FD0];
	(tm) =	ssettm $0x1  }
0x93: {  	s5 =	sld [smem:$0x3FFB];
	_ =	sdelay $0x3  }
0x94: {  	_ =	strace s5  }
0x95: {  	s5 =	sld [smem:$0x3FFC];
	_ =	sdelay $0x3  }
0x96: {  	_ =	strace s5  }
0x97: {  	s5 =	sld [smem:$0x3FFD];
	_ =	sdelay $0x3  }
0x98: {  	_ =	strace s5  }
0x99: {  	_ =	strace $0x8FFFFFFF  }
0x9a: {  	s19 =	sld [smem:$0x3FDB];
	_ =	sdelay $0x1  }
0x9b: {  	s6 =	simm.s32 $_scs_section_size  }
0x9c: {  	s7 =	simm.s32 $_size__tile_overlayer_lowered;
	s8 =	simm.s32 $_tile_overlayer_lowered  }
0x9d: {  	s22 =	simm.s32 $0x1BFF;
	s21 =	sshll.u32 s8, $0x1;
	s5 =	sadd.s32 s6, s19  }
0x9e: {  	s9 =	simm.s32 $0x0;
	s20 =	sshll.u32 s7, $0x1;
	s7 =	sadd.s32 s21, s5  }
0x9f: {  	[timem:s9], [sflag:s22] =	dma.local [hbm:s7], s20  }
0xa0: {  	_ =	swait.ge [sflag:s22], s20  }
0xa1: {  	s6 =	ssub.s32 $0x0, s20;
	[sflag:s22] =	ssyncset.done $0x0  }
0xa2: {  	[sflag:s22] =	ssyncadd.s32 s6;
	_ =	sdelay $0x1  }
0xa3: {  	s23 =	simm.s32 $0x1B8B  }
0xa4: {  	_ =	swait.ge [sflag:s23], $0x1  }
0xa5: {  	[sflag:s23] =	ssyncset.done $0x0  }
0xa6: {  	s25 =	simm.s32 $0x1B8E;
	s24 =	sld [smem:$0x3FFE];
	[sflag:s23] =	ssyncadd.s32 $0xFFFFFFFF  }
0xa7: {  	s26 =	simm.s32 $execute0_lowered;
	[smem:$0x3FD2] =	sst s25  }
0xa8: {  	s7 =	sshll.u32 s26, $0x1;
	_ =	strace $0x80000046;
	[dreg:$0x1] =	wrdreg $0xFFFFFFFF  }
0xa9: {  	s28 =	simm.s32 $_size_execute0_lowered;
	s5 =	sadd.s32 s5, s7;
	[dreg:$0x0] =	wrdreg $0x0  }
0xaa: {  	s7 =	sshll.u32 s28, $0x1;
	[dreg:$0x2] =	wrdreg s5  }
0xab: {  	[dreg:$0x3] =	wrdreg s7  }
0xac: {  	[dreg:$0x4] =	wrdreg $0xC0  }
0xad: {  	_ =	task [dreg:s9], $0x5FFFF  }
0xae: {  	[dreg:$0x1] =	wrdreg $0xFFFFFFFF  }
0xaf: {  	[dreg:$0x0] =	wrdreg $0x60  }
0xb0: {  	[dreg:$0x2] =	wrdreg s2  }
0xb1: {  	[dreg:$0x3] =	wrdreg s18  }
0xb2: {  	[dreg:$0x4] =	wrdreg s4  }
0xb3: {  	[dreg:$0x5] =	wrdreg s24  }
0xb4: {  	[dreg:$0x6] =	wrdreg $0x0  }
0xb5: {  	[dreg:$0x7] =	wrdreg $0x9  }
0xb6: {  	_ =	task.clear_ibuf [dreg:s9], $0x8FFFF;
	_ =	strace $0x90000046  }
0xb7: {  	s29 =	simm.s32 $0x9;
	_ =	strace $0x80000048  }
0xb8: {  	_ =	swait.ge [sflag:s29], $0x1  }
0xb9: {  	[sflag:s29] =	ssyncadd.s32 $0xFFFFFFFF  }
0xba: {  	_ =	strace $0x90000048  }
0xbb: {  	_ =	sfence  }
0xbc: {  	s30 =	sld [smem:$0x0];
	_ =	sdelay $0x2  }
0xbd: {  	s31 =	sshll.u32 s1, $0xD;
	s1 =	sshrl.u32 s1, $0x2  }
0xbe: {  	s3 =	sand.u32 $0x4000, s31;
	s1 =	sadd.s32 s1, s30  }
0xbf: {  	s0 =	sor.u32 s3, s0;
	s1 =	sshll.u32 s1, $0x11  }
0xc0: {  	s0 =	sor.u32 s1, s0  }
0xc1: {  	s0 =	sadd.s32 $0x8F2B, s0  }
0xc2: {  	[sflag:s0] =	ssyncadd.remote.s32 $0x1  }
0xc3: {  	_ =	sfence.sel $0xFFFF  }
0xc4: {  	[dreg:$0x0] =	wrdreg $0xFFFFFFFF;
	(pc) =	sbr.abs _section_cstart, $3  }
0xc5: {  	[dreg:$0x1] =	wrdreg $0xFFFFFFFF  }
0xc6: {  	_ =	task.clear_ibuf [dreg:s9], $0x2FFFF;
	_ =	strace $0x9FFFFFFF  }
0xc7: {  	(tm) =	ssettm $0x7FFFFFFF  }
tec
execute0_lowered:
.L_overlay_start_1:
0x0: {  	(tag) =	ssettag $0x1  }
0x1: {  	s0 =	rddreg [dreg:$0x0]  }
0x2: {  	s1 =	rddreg [dreg:$0x1]  }
0x3: {  	s3 =	rddreg [dreg:$0x2]  }
0x4: {  	s2 =	srdreg.scid;
	s4 =	rddreg [dreg:$0x3]  }
0x5: {  	s9 =	stileid.u32;
	s7 =	simm.s32 $0x0;
	s31 =	simm.s32 $0x2  }
0x6: {  	s29 =	simm.s32 $0x1;
	s5 =	sand.u32 $0x1, s2;
	s2 =	rddreg [dreg:$0x4]  }
0x7: {  	s30 =	simm.s32 $0x80;
	[smem:$0x7FF] =	sst s7;
	s4 =	sadd.s32 $0xE00, s4  }
0x8: {  	s6 =	sshll.u32 s5, $0x4;
	s26 =	ssub.s32 $0x2, s5;
	_ =	strace $0x80000047  }
0x9: {  	p0 =	seq.s32 s5, $0x1;
	s6 =	sor.u32 s9, s6;
	s8 =	sshrl.u32 s26, $0x1  }
0xa: {  	s5 =	simm.s32 $0x0;
	s6 =	smul.u32 $0x4E2, s6;
	s7 =	ssub.s32 s26, s8  }
0xb: {  	s9 =	smul.u32 $0x13880, s9;
	s3 =	smov.u32 @p0 s4;
	s24 =	smax.u32 s7, $0x1  }
0xc: {  	s4 =	simm.s32 $0x4;
	s1 =	sadd.s32 s1, s6;
	[dreg:$0x8] =	wrdreg s24  }
0xd: {  	s0 =	sadd.s32 s0, s6;
	s6 =	sadd.s32 s9, s2;
	[dreg:$0x6] =	wrdreg s1  }
0xe: {  	s9 =	sshrl.u32 s9, $0x3;
	[dreg:$0x7] =	wrdreg s0;
	s25 =	sadd.s32 $0xFA0, s6  }
0xf: {  	s26 =	sadd.s32 $0x1F40, s6;
	s10 =	sadd.s32 $0x2EE0, s6;
	s11 =	sadd.s32 $0x3E80, s6  }
0x10: {  	s12 =	sadd.s32 $0x4E20, s6;
	s13 =	sadd.s32 $0x5DC0, s6;
	s14 =	sadd.s32 $0x6D60, s6  }
0x11: {  	s15 =	sadd.s32 $0x7D00, s6;
	s16 =	sadd.s32 $0x8CA0, s6;
	s17 =	sadd.s32 $0x9C40, s6  }
0x12: {  	s18 =	sadd.s32 $0xABE0, s6;
	s19 =	sadd.s32 $0xBB80, s6;
	s20 =	sadd.s32 $0xCB20, s6  }
0x13: {  	s21 =	sadd.s32 $0xDAC0, s6;
	s22 =	sadd.s32 $0xEA60, s6;
	s23 =	sadd.s32 $0xFA00, s6  }
0x14: {  	s24 =	sadd.s32 s3, s9;
	s28 =	sadd.s32 $0x128E0, s6;
	s0 =	simm.s32 $0x3  }
0x15: {  	s1 =	simm.s32 $0x1B000;
	s3 =	simm.s32 $0x1AF80;
	[dreg:$0x9] =	wrdreg s25  }
0x16: {  	v0 =	vimm.f32 $0.0e+00;
	v1 =	vimm.f32 $1.000000000e+00;
	v2 =	vimm.s32 $0x64;
	[dreg:$0xa] =	wrdreg s26;
	s25 =	sadd.s32 $0x109A0, s6;
	s26 =	sadd.s32 $0x11940, s6  }
.LBB2_1:
0x17: {  	s7 =	simm.s32 $0x0;
	s8 =	rddreg [dreg:$0x6];
	s9 =	simm.s32 $0x13880  }
0x18: {  	[tilespmem:s9], [sflag:$0x2] =	stream.linear.gather [hbm4b:s8+s7], $0x2710, $0x38;
	[tilespmem:$0x1C000] =	vst v63  }
0x19: {  	s8 =	rddreg [dreg:$0x7];
	s9 =	simm.s32 $0x16000  }
0x1a: {  	[tilespmem:s9], [sflag:$0x3] =	stream.linear.gather [hbm4b:s8+s7], $0x2710, $0x38;
	[tilespmem:$0x1C000] =	vst v63  }
0x1b: {  	s7 =	simm.s32 $0x40;
	s8 =	simm.s32 $0x0  }
.LBB2_2:
0x1c: {  	p0 =	sne.s32 s7, $0x3E40;
	[tilespmem:s8+$0x1B000] =	vst v0;
	s8 =	smov.u32 s7;
	s7 =	sadd.s32 $0x40, s7  }
.Ltmp0:
0x1d: {  	(pc) =	sbr.rel @p0 .LBB2_2-.Ltmp0, $2  }
0x1e: {  	_ =	sdelay $0x2  }
0x1f: {  	s8 =	sshra.s32 s8, $0x2  }
0x20: {  	[tilespmem:s8+$0x1B000] =	vst v0  }
0x21: {  	[tilespmem:$0x1AF80] =	vst v1  }
0x22: {  	[tilespmem:$0x1AF90] =	vst v1  }
0x23: {  	[tilespmem:$0x1AFA0] =	vst v1  }
0x24: {  	[tilespmem:$0x1AFB0] =	vst v1  }
0x25: {  	[tilespmem:$0x1AFC0] =	vst v1  }
0x26: {  	[tilespmem:$0x1AFD0] =	vst v1  }
0x27: {  	[tilespmem:$0x1AFE0] =	vst v1  }
0x28: {  	[tilespmem:$0x1AFF0] =	vst v1  }
0x29: {  	_ =	swait.ge [sflag:s31], $0x2710  }
0x2a: {  	[sflag:s31] =	ssyncset.done $0x0  }
0x2b: {  	[sflag:s31] =	ssyncadd.s32 $0xFFFFD8F0  }
0x2c: {  	_ =	swait.ge [sflag:s0], $0x2710  }
0x2d: {  	[sflag:s0] =	ssyncset.done $0x0  }
0x2e: {  	s7 =	simm.s32 $0x0;
	[sflag:s0] =	ssyncadd.s32 $0xFFFFD8F0  }
0x2f: {  	v3 =	vld [tilespmem:s7+$0x138F0]  }
0x30: {  	v4 =	vld [tilespmem:s7+$0x16070]  }
0x31: {  	v5 =	vld [tilespmem:s7+$0x13880]  }
0x32: {  	v6 =	vld [tilespmem:s7+$0x13890]  }
0x33: {  	v7 =	vld [tilespmem:s7+$0x138A0]  }
0x34: {  	v9 =	vld [tilespmem:s7+$0x138B0]  }
0x35: {  	v12 =	vld [tilespmem:s7+$0x138C0]  }
0x36: {  	v11 =	vld [tilespmem:s7+$0x16000]  }
0x37: {  	v13 =	vld [tilespmem:s7+$0x16010];
	v3 =	vshll.u32 v3, $0x7  }
0x38: {  	v3 =	vadd.s32 v4, v3;
	v4 =	vld [tilespmem:s7+$0x138D0]  }
0x39: {  	[tilespmem:s7+$0x187F0] =	vst v3;
	v3 =	vld [tilespmem:s7+$0x138E0]  }
0x3a: {  	v10 =	vld [tilespmem:s7+$0x16020]  }
0x3b: {  	v8 =	vld [tilespmem:s7+$0x16030]  }
0x3c: {  	v14 =	vshll.u32 v5, $0x7;
	v5 =	vld [tilespmem:s7+$0x16040];
	v15 =	vshll.u32 v6, $0x7;
	v9 =	vshll.u32 v9, $0x7  }
0x3d: {  	v6 =	vld [tilespmem:s7+$0x16050];
	v14 =	vadd.s32 v11, v14;
	v11 =	vshll.u32 v7, $0x7;
	v7 =	vshll.u32 v12, $0x7  }
0x3e: {  	s8 =	simm.s32 $0x80;
	s9 =	simm.s32 $0x400;
	v13 =	vadd.s32 v13, v15;
	v12 =	vld [tilespmem:s7+$0x16060];
	[tilespmem:s7+$0x18780] =	vst v14;
	v4 =	vshll.u32 v4, $0x7;
	v3 =	vshll.u32 v3, $0x7  }
.LBB2_4:
0x3f: {  	p0 =	sne.s32 s9, $0x9A00;
	v14 =	vld [tilespmem:s8+$0x138F0];
	[tilespmem:s7+$0x18790] =	vst v13;
	v10 =	vadd.s32 v10, v11  }
0x40: {  	v11 =	vld [tilespmem:s8+$0x16070];
	[tilespmem:s7+$0x187A0] =	vst v10;
	v8 =	vadd.s32 v8, v9  }
0x41: {  	v9 =	vld [tilespmem:s8+$0x13880];
	[tilespmem:s7+$0x187B0] =	vst v8;
	v5 =	vadd.s32 v5, v7  }
0x42: {  	v7 =	vld [tilespmem:s8+$0x13890];
	[tilespmem:s7+$0x187C0] =	vst v5;
	v4 =	vadd.s32 v6, v4  }
0x43: {  	v5 =	vld [tilespmem:s8+$0x138A0];
	[tilespmem:s7+$0x187D0] =	vst v4;
	v3 =	vadd.s32 v12, v3  }
0x44: {  	v4 =	vld [tilespmem:s8+$0x138B0];
	v6 =	vshll.u32 v14, $0x7;
	[tilespmem:s7+$0x187E0] =	vst v3;
	s7 =	smov.u32 s8  }
0x45: {  	v3 =	vld [tilespmem:s7+$0x138C0];
	v6 =	vadd.s32 v11, v6  }
0x46: {  	v12 =	vshll.u32 v9, $0x7;
	v13 =	vld [tilespmem:s7+$0x138D0];
	[tilespmem:s7+$0x187F0] =	vst v6  }
0x47: {  	v14 =	vshll.u32 v7, $0x7;
	v6 =	vld [tilespmem:s7+$0x138E0]  }
0x48: {  	v15 =	vld [tilespmem:s7+$0x16000];
	v11 =	vshll.u32 v5, $0x7  }
0x49: {  	v16 =	vld [tilespmem:s7+$0x16010];
	v9 =	vshll.u32 v4, $0x7  }
.Ltmp1:
0x4a: {  	v10 =	vld [tilespmem:s7+$0x16020];
	v7 =	vshll.u32 v3, $0x7;
	(pc) =	sbr.rel @p0 .LBB2_4-.Ltmp1, $4  }
0x4b: {  	v8 =	vld [tilespmem:s7+$0x16030];
	v4 =	vshll.u32 v13, $0x7  }
0x4c: {  	v5 =	vld [tilespmem:s7+$0x16040];
	v3 =	vshll.u32 v6, $0x7  }
0x4d: {  	v12 =	vadd.s32 v15, v12;
	v6 =	vld [tilespmem:s7+$0x16050]  }
0x4e: {  	s8 =	sshra.s32 s9, $0x2;
	s9 =	sadd.s32 $0x200, s9;
	[tilespmem:s7+$0x18780] =	vst v12;
	v13 =	vadd.s32 v16, v14;
	v12 =	vld [tilespmem:s7+$0x16060]  }
0x4f: {  	v14 =	vld [tilespmem:s8+$0x138F0];
	[tilespmem:s7+$0x18790] =	vst v13;
	v10 =	vadd.s32 v10, v11  }
0x50: {  	v52 =	vld [tilespmem:s8+$0x16070];
	[tilespmem:s7+$0x187A0] =	vst v10;
	v8 =	vadd.s32 v8, v9  }
0x51: {  	v53 =	vld [tilespmem:s8+$0x13880];
	[tilespmem:s7+$0x187B0] =	vst v8;
	v5 =	vadd.s32 v5, v7  }
0x52: {  	v54 =	vld [tilespmem:s8+$0x13890];
	[tilespmem:s7+$0x187C0] =	vst v5;
	v4 =	vadd.s32 v6, v4  }
0x53: {  	v5 =	vld [tilespmem:s8+$0x138A0];
	[tilespmem:s7+$0x187D0] =	vst v4;
	v3 =	vadd.s32 v12, v3  }
0x54: {  	v4 =	vld [tilespmem:s8+$0x138B0];
	[tilespmem:s7+$0x187E0] =	vst v3  }
0x55: {  	v55 =	vld [tilespmem:s8+$0x138C0]  }
0x56: {  	v8 =	vld [tilespmem:s8+$0x138D0]  }
0x57: {  	v10 =	vld [tilespmem:s8+$0x16000]  }
0x58: {  	v56 =	vld [tilespmem:s8+$0x16010]  }
0x59: {  	v57 =	vld [tilespmem:s8+$0x16020]  }
0x5a: {  	v13 =	vld [tilespmem:s8+$0x16030]  }
0x5b: {  	v3 =	vshll.u32 v14, $0x7;
	v58 =	vld [tilespmem:s8+$0x16040]  }
0x5c: {  	v3 =	vadd.s32 v52, v3;
	v59 =	vld [tilespmem:s8+$0x16050];
	v9 =	vshll.u32 v53, $0x7  }
0x5d: {  	[tilespmem:s8+$0x187F0] =	vst v3;
	v3 =	vld [tilespmem:s8+$0x138E0];
	v7 =	vshll.u32 v54, $0x7;
	v9 =	vadd.s32 v10, v9  }
0x5e: {  	v60 =	vld [tilespmem:s8+$0x16060];
	v5 =	vshll.u32 v5, $0x7;
	v7 =	vadd.s32 v56, v7;
	[tilespmem:s8+$0x18780] =	vst v9  }
0x5f: {  	v4 =	vshll.u32 v4, $0x7;
	v5 =	vadd.s32 v57, v5;
	[tilespmem:s8+$0x18790] =	vst v7  }
0x60: {  	v6 =	vshll.u32 v55, $0x7;
	v4 =	vadd.s32 v13, v4;
	[tilespmem:s8+$0x187A0] =	vst v5  }
0x61: {  	v61 =	vshll.u32 v8, $0x7;
	[tilespmem:s8+$0x187B0] =	vst v4;
	v62 =	vadd.s32 v58, v6  }
0x62: {  	v3 =	vshll.u32 v3, $0x7;
	v63 =	vadd.s32 v59, v61;
	[tilespmem:s8+$0x187C0] =	vst v62  }
0x63: {  	[tilespmem:s8+$0x187D0] =	vst v63;
	v3 =	vadd.s32 v60, v3  }
0x64: {  	[tilespmem:s8+$0x187E0] =	vst v3  }
0x65: {  	[tilespmem:$0x1AE90] =	vst v2  }
0x66: {  	[tilespmem:$0x1AEA0] =	vst v2  }
0x67: {  	[tilespmem:$0x1AEB0] =	vst v2  }
0x68: {  	[tilespmem:$0x1AEC0] =	vst v2  }
0x69: {  	[tilespmem:$0x1AED0] =	vst v2  }
0x6a: {  	[tilespmem:$0x1AEE0] =	vst v2  }
0x6b: {  	[tilespmem:$0x1AEF0] =	vst v2  }
0x6c: {  	[tilespmem:$0x1AF00] =	vst v2  }
0x6d: {  	v3 =	vld [tilespmem:$0x15F80];
	[tilespmem:$0x1AF10] =	vst v2  }
0x6e: {  	v4 =	vld [tilespmem:$0x18700];
	[tilespmem:$0x1AF20] =	vst v2  }
0x6f: {  	[tilespmem:$0x1AF30] =	vst v2  }
0x70: {  	[tilespmem:$0x1AF40] =	vst v2  }
0x71: {  	[tilespmem:$0x1AF50] =	vst v2  }
0x72: {  	[tilespmem:$0x1AF60] =	vst v2;
	v3 =	vshll.u32 v3, $0x7  }
0x73: {  	[tilespmem:$0x1AF70] =	vst v2;
	v3 =	vadd.s32 v4, v3  }
0x74: {  	[tilespmem:$0x1AE80] =	vst v3  }
0x75: {  	[spmem:s6] =	stream.linear.scatter [tilespmem:s1], [sflag:$0x1], $0xFA0, $0x38;
	[tilespmem:$0x1C000] =	vst v63  }
0x76: {  	s8 =	rddreg [dreg:$0x9]  }
0x77: {  	[spmem:s8] =	stream.linear.scatter [tilespmem:s1], [sflag:$0x1], $0xFA0, $0x38;
	[tilespmem:$0x1C000] =	vst v63  }
0x78: {  	s9 =	rddreg [dreg:$0xa]  }
0x79: {  	[spmem:s9] =	stream.linear.scatter [tilespmem:s1], [sflag:$0x1], $0xFA0, $0x38;
	[tilespmem:$0x1C000] =	vst v63  }
0x7a: {  	_ = 	snop  }
0x7b: {  	[spmem:s10] =	stream.linear.scatter [tilespmem:s1], [sflag:$0x1], $0xFA0, $0x38;
	[tilespmem:$0x1C000] =	vst v63  }
0x7c: {  	_ = 	snop  }
0x7d: {  	[spmem:s11] =	stream.linear.scatter [tilespmem:s1], [sflag:$0x1], $0xFA0, $0x38;
	[tilespmem:$0x1C000] =	vst v63  }
0x7e: {  	_ = 	snop  }
0x7f: {  	[spmem:s12] =	stream.linear.scatter [tilespmem:s1], [sflag:$0x1], $0xFA0, $0x38;
	[tilespmem:$0x1C000] =	vst v63  }
0x80: {  	_ = 	snop  }
0x81: {  	[spmem:s13] =	stream.linear.scatter [tilespmem:s1], [sflag:$0x1], $0xFA0, $0x38;
	[tilespmem:$0x1C000] =	vst v63  }
0x82: {  	_ = 	snop  }
0x83: {  	[spmem:s14] =	stream.linear.scatter [tilespmem:s1], [sflag:$0x1], $0xFA0, $0x38;
	[tilespmem:$0x1C000] =	vst v63  }
0x84: {  	_ = 	snop  }
0x85: {  	[spmem:s15] =	stream.linear.scatter [tilespmem:s1], [sflag:$0x1], $0xFA0, $0x38;
	[tilespmem:$0x1C000] =	vst v63  }
0x86: {  	_ = 	snop  }
0x87: {  	[spmem:s16] =	stream.linear.scatter [tilespmem:s1], [sflag:$0x1], $0xFA0, $0x38;
	[tilespmem:$0x1C000] =	vst v63  }
0x88: {  	_ = 	snop  }
0x89: {  	[spmem:s17] =	stream.linear.scatter [tilespmem:s1], [sflag:$0x1], $0xFA0, $0x38;
	[tilespmem:$0x1C000] =	vst v63  }
0x8a: {  	_ = 	snop  }
0x8b: {  	[spmem:s18] =	stream.linear.scatter [tilespmem:s1], [sflag:$0x1], $0xFA0, $0x38;
	[tilespmem:$0x1C000] =	vst v63  }
0x8c: {  	_ = 	snop  }
0x8d: {  	[spmem:s19] =	stream.linear.scatter [tilespmem:s1], [sflag:$0x1], $0xFA0, $0x38;
	[tilespmem:$0x1C000] =	vst v63  }
0x8e: {  	_ = 	snop  }
0x8f: {  	[spmem:s20] =	stream.linear.scatter [tilespmem:s1], [sflag:$0x1], $0xFA0, $0x38;
	[tilespmem:$0x1C000] =	vst v63  }
0x90: {  	_ = 	snop  }
0x91: {  	[spmem:s21] =	stream.linear.scatter [tilespmem:s1], [sflag:$0x1], $0xFA0, $0x38;
	[tilespmem:$0x1C000] =	vst v63  }
0x92: {  	_ = 	snop  }
0x93: {  	[spmem:s22] =	stream.linear.scatter [tilespmem:s1], [sflag:$0x1], $0xFA0, $0x38;
	[tilespmem:$0x1C000] =	vst v63  }
0x94: {  	_ = 	snop  }
0x95: {  	[spmem:s23] =	stream.linear.scatter [tilespmem:s1], [sflag:$0x1], $0xFA0, $0x38;
	[tilespmem:$0x1C000] =	vst v63  }
0x96: {  	_ = 	snop  }
0x97: {  	[spmem:s25] =	stream.linear.scatter [tilespmem:s1], [sflag:$0x1], $0xFA0, $0x38;
	[tilespmem:$0x1C000] =	vst v63  }
0x98: {  	_ = 	snop  }
0x99: {  	[spmem:s26] =	stream.linear.scatter [tilespmem:s1], [sflag:$0x1], $0xFA0, $0x38;
	[tilespmem:$0x1C000] =	vst v63  }
0x9a: {  	_ = 	snop  }
0x9b: {  	[spmem:s28] =	stream.linear.scatter [tilespmem:s1], [sflag:$0x1], $0xFA0, $0x38;
	[tilespmem:$0x1C000] =	vst v63  }
0x9c: {  	_ =	swait.ge [sflag:s29], $0xFA0  }
0x9d: {  	[sflag:s29] =	ssyncset.done $0x0  }
0x9e: {  	[sflag:s29] =	ssyncadd.s32 $0xFFFFF060  }
0x9f: {  	_ =	swait.ge [sflag:s29], $0xFA0  }
0xa0: {  	[sflag:s29] =	ssyncset.done $0x0  }
0xa1: {  	[sflag:s29] =	ssyncadd.s32 $0xFFFFF060  }
0xa2: {  	_ =	swait.ge [sflag:s29], $0xFA0  }
0xa3: {  	[sflag:s29] =	ssyncset.done $0x0  }
0xa4: {  	[sflag:s29] =	ssyncadd.s32 $0xFFFFF060  }
0xa5: {  	_ =	swait.ge [sflag:s29], $0xFA0  }
0xa6: {  	[sflag:s29] =	ssyncset.done $0x0  }
0xa7: {  	[sflag:s29] =	ssyncadd.s32 $0xFFFFF060  }
0xa8: {  	_ =	swait.ge [sflag:s29], $0xFA0  }
0xa9: {  	[sflag:s29] =	ssyncset.done $0x0  }
0xaa: {  	[sflag:s29] =	ssyncadd.s32 $0xFFFFF060  }
0xab: {  	_ =	swait.ge [sflag:s29], $0xFA0  }
0xac: {  	[sflag:s29] =	ssyncset.done $0x0  }
0xad: {  	[sflag:s29] =	ssyncadd.s32 $0xFFFFF060  }
0xae: {  	_ =	swait.ge [sflag:s29], $0xFA0  }
0xaf: {  	[sflag:s29] =	ssyncset.done $0x0  }
0xb0: {  	[sflag:s29] =	ssyncadd.s32 $0xFFFFF060  }
0xb1: {  	_ =	swait.ge [sflag:s29], $0xFA0  }
0xb2: {  	[sflag:s29] =	ssyncset.done $0x0  }
0xb3: {  	[sflag:s29] =	ssyncadd.s32 $0xFFFFF060  }
0xb4: {  	_ =	swait.ge [sflag:s29], $0xFA0  }
0xb5: {  	[sflag:s29] =	ssyncset.done $0x0  }
0xb6: {  	[sflag:s29] =	ssyncadd.s32 $0xFFFFF060  }
0xb7: {  	_ =	swait.ge [sflag:s29], $0xFA0  }
0xb8: {  	[sflag:s29] =	ssyncset.done $0x0  }
0xb9: {  	[sflag:s29] =	ssyncadd.s32 $0xFFFFF060  }
0xba: {  	_ =	swait.ge [sflag:s29], $0xFA0  }
0xbb: {  	[sflag:s29] =	ssyncset.done $0x0  }
0xbc: {  	[sflag:s29] =	ssyncadd.s32 $0xFFFFF060  }
0xbd: {  	_ =	swait.ge [sflag:s29], $0xFA0  }
0xbe: {  	[sflag:s29] =	ssyncset.done $0x0  }
0xbf: {  	[sflag:s29] =	ssyncadd.s32 $0xFFFFF060  }
0xc0: {  	_ =	swait.ge [sflag:s29], $0xFA0  }
0xc1: {  	[sflag:s29] =	ssyncset.done $0x0  }
0xc2: {  	[sflag:s29] =	ssyncadd.s32 $0xFFFFF060  }
0xc3: {  	_ =	swait.ge [sflag:s29], $0xFA0  }
0xc4: {  	[sflag:s29] =	ssyncset.done $0x0  }
0xc5: {  	[sflag:s29] =	ssyncadd.s32 $0xFFFFF060  }
0xc6: {  	_ =	swait.ge [sflag:s29], $0xFA0  }
0xc7: {  	[sflag:s29] =	ssyncset.done $0x0  }
0xc8: {  	[sflag:s29] =	ssyncadd.s32 $0xFFFFF060  }
0xc9: {  	_ =	swait.ge [sflag:s29], $0xFA0  }
0xca: {  	[sflag:s29] =	ssyncset.done $0x0  }
0xcb: {  	[sflag:s29] =	ssyncadd.s32 $0xFFFFF060  }
0xcc: {  	_ =	swait.ge [sflag:s29], $0xFA0  }
0xcd: {  	[sflag:s29] =	ssyncset.done $0x0  }
0xce: {  	[sflag:s29] =	ssyncadd.s32 $0xFFFFF060  }
0xcf: {  	_ =	swait.ge [sflag:s29], $0xFA0  }
0xd0: {  	[sflag:s29] =	ssyncset.done $0x0  }
0xd1: {  	[sflag:s29] =	ssyncadd.s32 $0xFFFFF060  }
0xd2: {  	_ =	swait.ge [sflag:s29], $0xFA0  }
0xd3: {  	[sflag:s29] =	ssyncset.done $0x0  }
0xd4: {  	[sflag:s29] =	ssyncadd.s32 $0xFFFFF060  }
0xd5: {  	_ =	swait.ge [sflag:s29], $0xFA0  }
0xd6: {  	[sflag:s29] =	ssyncset.done $0x0  }
0xd7: {  	[sflag:s29] =	ssyncadd.s32 $0xFFFFF060  }
0xd8: {  	s7 =	simm.s32 $0x0;
	[bflag:$0x0] =	sbarrier.arrive $0xFFFF  }
.LBB2_6:
0xd9: {  	p0 =	sne.s32 s7, $0x9E00  }
.Ltmp2:
0xda: {  	_ = 	snop;
	(pc) =	sbr.rel @p0 .LBB2_6-.Ltmp2, $4  }
0xdb: {  	_ = 	snop  }
0xdc: {  	s8 =	sshra.s32 s7, $0x2  }
0xdd: {  	s7 =	sadd.s32 $0x200, s7;
	s8 =	sadd.s32 $0x18780, s8  }
0xde: {  	[spmem:s2] =	stream.indirect.scatter.add.f32 [tilespmem:s3], [sflag:$0x1], $0x1, s8, s30, $0xb8;
	[tilespmem:$0x1C000] =	vst v63  }
0xdf: {  	_ =	swait.ge [sflag:s29], $0x80  }
0xe0: {  	s7 =	simm.s32 $0x4F;
	[sflag:s29] =	ssyncset.done $0x0  }
.LBB2_8:
0xe1: {  	p0 =	sne.s32 s7, $0x1;
	s7 =	sadd.s32 $0xFFFFFFFF, s7;
	[sflag:s29] =	ssyncadd.s32 $0xFFFFFF80  }
.Ltmp3:
0xe2: {  	(pc) =	sbr.rel @p0 .LBB2_8-.Ltmp3, $3  }
0xe3: {  	_ =	sdelay $0x1  }
0xe4: {  	_ =	swait.ge [sflag:s29], $0x80  }
0xe5: {  	[sflag:s29] =	ssyncset.done $0x0  }
0xe6: {  	s7 =	stileid.u32  }
0xe7: {  	[sflag:s29] =	ssyncadd.s32 $0xFFFFFF80;
	s7 =	sshll.u32 s7, $0x6  }
0xe8: {  	s8 =	sshrl.u32 s6, $0x3;
	[bflag:$0x0] =	sbarrier.arrive $0xFFFF;
	s7 =	sor.u32 $0x1C04, s7  }
0xe9: {  	[hbm:s24], [sflag:s7] =	dma.local [spmem:s8], $0x2710  }
0xea: {  	_ =	swait.ge [sflag:s4], $0x2710  }
0xeb: {  	s5 =	sadd.s32 $0x1, s5;
	s9 =	rddreg [dreg:$0x8]  }
0xec: {  	p0 =	sne.s32 s5, s9  }
.Ltmp4:
0xed: {  	_ = 	snop;
	(pc) =	sbr.rel @p0 .LBB2_1-.Ltmp4, $3  }
0xee: {  	_ =	sdelay $0x1  }
0xef: {  	[sflag:s4] =	ssyncset.done $0x0  }
0xf0: {  	[sflag:s4] =	ssyncadd.s32 $0xFFFFD8F0  }
0xf1: {  	_ =	sfence.sel $0x180000  }
0xf2: {  	[bflag:$0x0] =	sbarrier.arrive $0xFFFF  }
0xf3: {  	_ =	strace $0x90000047  }
0xf4: {  	s0 =	stileid.u32;
	[bflag:$0x2] =	sbarrier.arrive $0xFFFF  }
0xf5: {  	p0 =	sne.s32 s0, $0x0;
	s0 =	rddreg [dreg:$0x5]  }
0xf6: {  	s0 =	sadd.s32 @!p0 $0x100000, s0  }
0xf7: {  	[sflag:s0] =	ssyncadd.tile.s32 @!p0 $0x1;
	_ =	shalt  }
.Lfunc_end2:
_tile_overlayer_lowered:
.L_overlay_start_2:
0xf8: {  	(tag) =	ssettag $0x2  }
0xf9: {  	s0 =	rddreg [dreg:$0x0];
	s2 =	stileid.u32  }
0xfa: {  	s1 =	rddreg [dreg:$0x1];
	p0 =	sne.s32 s2, $0x0  }
0xfb: {  	s3 =	rddreg [dreg:$0x2];
	[bflag:$0x3] =	sbarrier.arrive $0xFFFF;
	s2 =	simm.s32 @!p0 $0x1C04  }
0xfc: {  	[timem:s3], [sflag:s2] =	dma.local @!p0 [hbm:s0], s1  }
0xfd: {  	s0 =	simm.s32 @!p0 $0x4  }
0xfe: {  	_ =	swait.ge @!p0 [sflag:s0], s1  }
0xff: {  	s1 =	ssub.s32 @!p0 $0x0, s1;
	[sflag:s0] =	ssyncset.done @!p0 $0x0  }
0x100: {  	[sflag:s0] =	ssyncadd.s32 @!p0 s1  }
0x101: {  	[bflag:$0x3] =	sbarrier.arrive $0xFFFF  }
0x102: {  	_ =	shalt  }

</sc_bundles>
